<compile_context>
chip_gen: v7x
topology: tpu7x:2x2x1
jax: 0.10.2.dev20260603
libtpu: 0.0.44.dev20260713+nightly
codegen_flags: <defaults>
</compile_context>

<pallas_src>
import functools

import jax
import jax.numpy as jnp
from jax import lax
from jax.experimental import pallas as pl
from jax.experimental.pallas import tpu as pltpu
from jax.experimental.pallas import tpu_sc as plsc

_f32 = jnp.float32

NC, NS = 2, 16
NW = NC * NS

NP = 10240
WR = NP // 128


def _pack2(hi, lo):
    hb = lax.bitcast_convert_type(hi.astype(jnp.bfloat16), jnp.uint16)
    lb = lax.bitcast_convert_type(lo.astype(jnp.bfloat16), jnp.uint16)
    word = (hb.astype(jnp.uint32) << 16) | lb.astype(jnp.uint32)
    return lax.bitcast_convert_type(word, jnp.int32)


def _unpack_hi(w):
    return lax.bitcast_convert_type(
        lax.bitcast_convert_type(w, jnp.uint32) & jnp.uint32(0xFFFF0000), _f32)


def _unpack_lo(w):
    return lax.bitcast_convert_type(
        lax.bitcast_convert_type(w, jnp.uint32) << 16, _f32)


def _tables_body(nodes_ref, wall_ref, ts_ref, tr_ref, qr_ref):
    t = jnp.dot(nodes_ref[...], wall_ref[...], preferred_element_type=_f32)
    ts_ref[...] = _pack2(t[:, :128], t[:, 128:256])
    tr_ref[...] = t[:, 256:384]
    qr_ref[...] = t[:, 384:512]


def _node_tables(nodes, wall, n_blk):
    n, d = nodes.shape
    return pl.pallas_call(
        _tables_body,
        grid=(n // n_blk,),
        in_specs=[
            pl.BlockSpec((n_blk, d), lambda i: (i, 0)),
            pl.BlockSpec((d, 512), lambda i: (0, 0)),
        ],
        out_specs=[
            pl.BlockSpec((n_blk, 128), lambda i: (i, 0)),
            pl.BlockSpec((n_blk, 128), lambda i: (i, 0)),
            pl.BlockSpec((n_blk, 128), lambda i: (i, 0)),
        ],
        out_shape=[
            jax.ShapeDtypeStruct((n, 128), jnp.int32),
            jax.ShapeDtypeStruct((n, 128), _f32),
            jax.ShapeDtypeStruct((n, 128), _f32),
        ],
    )(nodes, wall)


def _sc_gather(ts, tr, snd, rcv, chunk):
    e = snd.shape[0]
    per_w = e // NW
    chunks = per_w // chunk
    mesh = plsc.VectorSubcoreMesh(
        core_axis_name="c", subcore_axis_name="s", num_cores=NC, num_subcores=NS)

    @functools.partial(
        pl.kernel,
        out_type=[jax.ShapeDtypeStruct((e, 128), jnp.int32),
                  jax.ShapeDtypeStruct((e, 128), _f32)],
        mesh=mesh,
        scratch_types=[
            pltpu.VMEM((chunk,), jnp.int32),
            pltpu.VMEM((chunk,), jnp.int32),
            pltpu.VMEM((chunk, 128), jnp.int32),
            pltpu.VMEM((chunk, 128), _f32),
            pltpu.SemaphoreType.DMA,
            pltpu.SemaphoreType.DMA,
        ],
    )
    def k(ts_hbm, tr_hbm, snd_hbm, rcv_hbm, gs_hbm, gr_hbm,
          idx_s, idx_r, buf_s, buf_r, sem_s, sem_r):
        wid = lax.axis_index("s") * NC + lax.axis_index("c")
        w_base = wid * per_w

        @pl.loop(0, chunks)
        def _chunk(i):
            base = w_base + i * chunk
            pltpu.sync_copy(snd_hbm.at[pl.ds(base, chunk)], idx_s)
            pltpu.sync_copy(rcv_hbm.at[pl.ds(base, chunk)], idx_r)
            cs = pltpu.async_copy(ts_hbm.at[idx_s], buf_s, sem_s)
            cr = pltpu.async_copy(tr_hbm.at[idx_r], buf_r, sem_r)
            cs.wait()
            cr.wait()
            pltpu.sync_copy(buf_s, gs_hbm.at[pl.ds(base, chunk)])
            pltpu.sync_copy(buf_r, gr_hbm.at[pl.ds(base, chunk)])

    return k(ts, tr, snd, rcv)


def _edge_body(gs_ref, gr_ref, ed_ref, rcv_ref, wqe_ref, w1e_ref, b1_ref,
               gam_ref, bet_ref, w2_ref, b2_ref, outa_ref, outb_ref):
    gs = gs_ref[...]
    eq = jnp.dot(ed_ref[...], wqe_ref[...], preferred_element_type=_f32)
    eh = jnp.dot(ed_ref[...], w1e_ref[...], preferred_element_type=_f32)
    q = _unpack_hi(gs) + eq
    hpre = _unpack_lo(gs) + gr_ref[...] + eh + b1_ref[...]
    h = jnp.maximum(hpre, 0.0)
    mu = jnp.mean(h, axis=1, keepdims=True)
    var = jnp.mean((h - mu) * (h - mu), axis=1, keepdims=True)
    hln = (h - mu) / jnp.sqrt(var + 1e-5) * gam_ref[...] + bet_ref[...]
    lg = jnp.sum(hln * w2_ref[...], axis=1, keepdims=True) + b2_ref[...]
    w = jnp.exp(jnp.maximum(lg, 0.0))
    lane = lax.broadcasted_iota(jnp.int32, (1, 128), 1)
    oh = (lane == (rcv_ref[...] % 128)).astype(_f32)
    outa_ref[...] = q * w
    outb_ref[...] = w * oh


def _edge_compute(gs, gr, edges, rcv2d, wqe_t, w1e_t, b1, gamma, beta, w2, b2,
                  e_blk):
    e, de = edges.shape
    smalls = [wqe_t, w1e_t, b1.reshape(1, 128), gamma.reshape(1, 128),
              beta.reshape(1, 128), w2.reshape(1, 128), b2.reshape(1, 1)]
    small_specs = [
        pl.BlockSpec((de, 128), lambda i: (0, 0)),
        pl.BlockSpec((de, 128), lambda i: (0, 0)),
        pl.BlockSpec((1, 128), lambda i: (0, 0)),
        pl.BlockSpec((1, 128), lambda i: (0, 0)),
        pl.BlockSpec((1, 128), lambda i: (0, 0)),
        pl.BlockSpec((1, 128), lambda i: (0, 0)),
        pl.BlockSpec((1, 1), lambda i: (0, 0)),
    ]
    return pl.pallas_call(
        _edge_body,
        grid=(e // e_blk,),
        in_specs=[
            pl.BlockSpec((e_blk, 128), lambda i: (i, 0)),
            pl.BlockSpec((e_blk, 128), lambda i: (i, 0)),
            pl.BlockSpec((e_blk, de), lambda i: (i, 0)),
            pl.BlockSpec((e_blk, 1), lambda i: (i, 0)),
        ] + small_specs,
        out_specs=[pl.BlockSpec((e_blk, 128), lambda i: (i, 0)),
                   pl.BlockSpec((e_blk, 128), lambda i: (i, 0))],
        out_shape=[jax.ShapeDtypeStruct((e, 128), _f32),
                   jax.ShapeDtypeStruct((e, 128), _f32)],
    )(gs, gr, edges, rcv2d, *smalls)


def _sc_scatter(msga, msgb, rcv, chunk):
    e = rcv.shape[0]
    per_w = e // NW
    chunks = per_w // chunk
    zr = 128
    per_tile_rows = NP // NS
    zcopies = per_tile_rows // zr
    n_acc = NP + WR
    mesh = plsc.VectorSubcoreMesh(
        core_axis_name="c", subcore_axis_name="s", num_cores=NC, num_subcores=NS)

    @functools.partial(
        pl.kernel,
        out_type=jax.ShapeDtypeStruct((NC, n_acc, 128), _f32),
        mesh=mesh,
        scratch_types=[
            pltpu.VMEM((chunk,), jnp.int32),
            pltpu.VMEM((chunk,), jnp.int32),
            pltpu.VMEM((chunk, 128), _f32),
            pltpu.VMEM((chunk, 128), _f32),
            pltpu.VMEM((zr, 128), _f32),
            pltpu.VMEM_SHARED((n_acc, 128), _f32),
        ],
    )
    def k(msga_hbm, msgb_hbm, rcv_hbm, out_hbm, idx, idx2, bufa, bufb, zbuf, acc):
        cid = lax.axis_index("c")
        sid = lax.axis_index("s")
        wid = sid * NC + cid
        w_base = wid * per_w
        zeros16 = jnp.zeros((16,), _f32)

        @pl.loop(0, zr)
        def _zrow(r):
            for kk in range(128 // 16):
                zbuf[r, pl.ds(kk * 16, 16)] = zeros16

        @pl.loop(0, zcopies)
        def _zcp(zi):
            pltpu.sync_copy(zbuf, acc.at[pl.ds(sid * per_tile_rows + zi * zr, zr)])

        @pl.when(sid == 0)
        def _zw():
            pltpu.sync_copy(zbuf.at[pl.ds(0, WR)], acc.at[pl.ds(NP, WR)])

        plsc.subcore_barrier()

        @pl.loop(0, chunks)
        def _chunk(i):
            base = w_base + i * chunk
            pltpu.sync_copy(rcv_hbm.at[pl.ds(base, chunk)], idx)
            pltpu.sync_copy(msga_hbm.at[pl.ds(base, chunk)], bufa)
            pltpu.sync_copy(msgb_hbm.at[pl.ds(base, chunk)], bufb)
            for kk in range(chunk // 16):
                v = idx[pl.ds(kk * 16, 16)]
                idx2[pl.ds(kk * 16, 16)] = NP + lax.shift_right_logical(v, 7)
            pltpu.sync_copy(bufa, acc.at[idx], add=True)
            pltpu.sync_copy(bufb, acc.at[idx2], add=True)

        plsc.subcore_barrier()

        @pl.loop(0, zcopies)
        def _dump(zi):
            row = sid * per_tile_rows + zi * zr
            pltpu.sync_copy(acc.at[pl.ds(row, zr)], out_hbm.at[cid, pl.ds(row, zr)])

        @pl.when(sid == 0)
        def _dw():
            pltpu.sync_copy(acc.at[pl.ds(NP, WR)], out_hbm.at[cid, pl.ds(NP, WR)])

    return k(msga, msgb, rcv)


def _final_body(parts_ref, wcol_ref, qr_ref, bq_ref, out_ref):
    num = parts_ref[0] + parts_ref[1]
    ws = wcol_ref[...]
    val = (num + ws * (qr_ref[...] + bq_ref[...])) / (ws + 1e-10)
    out_ref[...] = jnp.where(val >= 0.0, val, 0.01 * val)


def _finalize(parts, wcol, qr, bq, n_blk):
    n = qr.shape[0]
    return pl.pallas_call(
        _final_body,
        grid=(n // n_blk,),
        in_specs=[
            pl.BlockSpec((2, n_blk, 128), lambda i: (0, i, 0)),
            pl.BlockSpec((n_blk, 1), lambda i: (i, 0)),
            pl.BlockSpec((n_blk, 128), lambda i: (i, 0)),
            pl.BlockSpec((1, 128), lambda i: (0, 0)),
        ],
        out_specs=pl.BlockSpec((n_blk, 128), lambda i: (i, 0)),
        out_shape=jax.ShapeDtypeStruct((n, 128), _f32),
    )(parts, wcol, qr, bq.reshape(1, 128))


def kernel(nodes, edge_index, edges, Wq, bq, W1, b1, gamma, beta, W2, b2):
    n, d = nodes.shape
    e = edge_index.shape[1]
    wall = jnp.concatenate(
        [Wq[:, :d].T, W1[:, :d].T, W1[:, d:2 * d].T, Wq[:, d:2 * d].T], axis=1)
    wqe_t = Wq[:, 2 * d:].T
    w1e_t = W1[:, 2 * d:].T
    snd = edge_index[0]
    rcv = edge_index[1]
    nodes_p = jnp.pad(nodes, ((0, NP - n), (0, 0)))

    ts, tr, qr = _node_tables(nodes_p, wall, 2048)
    gs, gr = _sc_gather(ts, tr, snd, rcv, 80)
    msga, msgb = _edge_compute(gs, gr, edges, rcv.reshape(e, 1), wqe_t, w1e_t,
                               b1, gamma, beta, W2[0], b2, 2560)
    parts = _sc_scatter(msga, msgb, rcv, 80)
    wcol = (parts[0, NP:] + parts[1, NP:]).reshape(NP)[:, None]
    out = _finalize(parts, wcol, qr, bq, 2048)
    return out[:n]

# --- scband reference (transcript-rebuilt; emitter-appended) ---
"""Pipeline reference for scband-graph-attention-layer-89481348644986 (READ-ONLY COPY).

The authoritative reference and input builder live on the scoring server;
editing this copy changes nothing except your own understanding.
"""

import jax, jax.numpy as jnp
import numpy as np

N = 10000
E = 320000
D = 128
DE = 16
M = 128
IN = 2 * D + DE  # 272


def setup_inputs(seed: int = 0) -> dict:
    key = jax.random.key(seed)
    ks = jax.random.split(key, 10)
    nodes = jax.random.normal(ks[0], (N, D), dtype=jnp.float32)
    edge_index = jax.random.randint(ks[1], (2, E), 0, N, dtype=jnp.int32)
    edges = jax.random.normal(ks[2], (E, DE), dtype=jnp.float32)
    # att_query: Linear(IN -> M), kaiming_normal weight, zero bias
    Wq = jax.random.normal(ks[3], (M, IN), dtype=jnp.float32) * np.sqrt(2.0 / IN)
    bq = jnp.zeros((M,), dtype=jnp.float32)
    # att_logit MLP: Linear(IN -> M), ReLU, LayerNorm(M), Linear(M -> 1), ReLU
    W1 = jax.random.normal(ks[4], (M, IN), dtype=jnp.float32) * (1.0 / np.sqrt(IN))
    b1 = jax.random.uniform(ks[5], (M,), minval=-1.0 / np.sqrt(IN), maxval=1.0 / np.sqrt(IN), dtype=jnp.float32)
    gamma = jnp.ones((M,), dtype=jnp.float32)
    beta = jnp.zeros((M,), dtype=jnp.float32)
    W2 = jax.random.normal(ks[6], (1, M), dtype=jnp.float32) * (1.0 / np.sqrt(M))
    b2 = jax.random.uniform(ks[7], (1,), minval=-1.0 / np.sqrt(M), maxval=1.0 / np.sqrt(M), dtype=jnp.float32)
    return {"nodes": nodes, "edge_index": edge_index, "edges": edges,
            "Wq": Wq, "bq": bq, "W1": W1, "b1": b1,
            "gamma": gamma, "beta": beta, "W2": W2, "b2": b2}


def reference(nodes, edge_index, edges, Wq, bq, W1, b1, gamma, beta, W2, b2):
    senders = edge_index[0]
    receivers = edge_index[1]
    sent_attr = jnp.take(nodes, senders, axis=0)
    recv_attr = jnp.take(nodes, receivers, axis=0)
    x = jnp.concatenate([sent_attr, recv_attr, edges], axis=-1)  # [E, IN]
    # AttentionQueryModule
    queries = x @ Wq.T + bq  # [E, M]
    # AttentionLogitModule: Linear -> ReLU -> LayerNorm -> Linear -> ReLU
    h = jax.nn.relu(x @ W1.T + b1)
    mu = jnp.mean(h, axis=-1, keepdims=True)
    var = jnp.var(h, axis=-1, keepdims=True)
    h_ln = (h - mu) / jnp.sqrt(var + 1e-5) * gamma + beta
    logits = jax.nn.relu(h_ln @ W2.T + b2)  # [E, 1]
    lg = logits[:, 0]
    # segment_softmax over receivers
    seg_max = jax.ops.segment_max(lg, receivers, num_segments=N)
    seg_max = jnp.where(jnp.isneginf(seg_max), jnp.zeros_like(seg_max), seg_max)
    exp_l = jnp.exp(lg - seg_max[receivers])
    seg_sum = jax.ops.segment_sum(exp_l, receivers, num_segments=N)
    weights = (exp_l / (seg_sum[receivers] + 1e-10))[:, None]  # [E, 1]
    messages = queries * weights  # [E, M]
    out = jax.ops.segment_sum(messages, receivers, num_segments=N)  # [N, M]
    out = jax.nn.leaky_relu(out, negative_slope=0.01)
    return out

if __name__ == "__main__":
    import jax
    _d = setup_inputs()
    print(jax.jit(kernel)(*tuple(_d.values())))

</pallas_src>

<mosaic_0001>
#map = affine_map<(d0, d1) -> (0, 0)>
#map1 = affine_map<(d0, d1) -> (0)>
module attributes {stable_mosaic.version = 14 : i64} {
  func.func @k(%arg0: i32, %arg1: i32, %arg2: memref<10240x128xi32, #tpu.memory_space<hbm>>, %arg3: memref<10240x128xf32, #tpu.memory_space<hbm>>, %arg4: memref<320000xi32, #tpu.memory_space<hbm>>, %arg5: memref<320000xi32, #tpu.memory_space<hbm>>, %arg6: memref<320000x128xi32, #tpu.memory_space<hbm>>, %arg7: memref<320000x128xf32, #tpu.memory_space<hbm>>, %arg8: memref<80xi32, #tpu.memory_space<vmem>>, %arg9: memref<80xi32, #tpu.memory_space<vmem>>, %arg10: memref<80x128xi32, #tpu.memory_space<vmem>>, %arg11: memref<80x128xf32, #tpu.memory_space<vmem>>, %arg12: memref<!tpu.dma_semaphore, #tpu.memory_space<semaphore_mem>>, %arg13: memref<!tpu.dma_semaphore, #tpu.memory_space<semaphore_mem>>) attributes {dimension_semantics = [#tpu.dimension_semantics<core_parallel>, #tpu.dimension_semantics<subcore_parallel>], iteration_bounds = array<i64: 2, 16>, scalar_prefetch = 0 : i64, scratch_operands = 6 : i64, tpu.core_type = #tpu.core_type<sc_vector_subcore>, window_params = [{transform_indices = #map}, {transform_indices = #map}, {transform_indices = #map1}, {transform_indices = #map1}, {transform_indices = #map}, {transform_indices = #map}]} {
    %mul3A = arith.constant 2 : i32
    %mul3A_0 = arith.muli %arg1, %mul3A : i32
    %add3A = arith.addi %mul3A_0, %arg0 : i32
    %mul3A_1 = arith.constant 10000 : i32
    %mul3A_2 = arith.muli %add3A, %mul3A_1 : i32
    %scan3A = arith.constant 0 : i32
    %scan3A_3 = arith.constant 125 : i32
    %scan3A_4 = arith.addi %scan3A, %scan3A_3 : i32
    %scan3A_5 = arith.constant 1 : i32
    scf.for %scan3A_7 = %scan3A to %scan3A_4 step %scan3A_5  : i32 {
      %mul3A_8 = arith.constant 1 : i32
      %mul3A_9 = arith.muli %scan3A_7, %mul3A_8 : i32
      %add3A_10 = arith.constant 0 : i32
      %add3A_11 = arith.addi %add3A_10, %mul3A_9 : i32
      %mul3A_12 = arith.constant 80 : i32
      %mul3A_13 = arith.muli %add3A_11, %mul3A_12 : i32
      %add3A_14 = arith.addi %mul3A_2, %mul3A_13 : i32
      "tpu.region"() ({
        %run_scoped3A = tpu.sem_alloc : memref<!tpu.dma_semaphore, #tpu.memory_space<semaphore_mem>>
        %dma_start3A_25 = tpu.memref_slice %arg4[%add3A_14] : memref<320000xi32, #tpu.memory_space<hbm>> -> memref<80xi32, #tpu.memory_space<hbm>>
        %dma_start3A_26 = tpu.memref_slice %arg4[%add3A_14] : memref<320000xi32, #tpu.memory_space<hbm>> -> memref<80xi32, #tpu.memory_space<hbm>>
        tpu.enqueue_dma source(%dma_start3A_26 : memref<80xi32, #tpu.memory_space<hbm>>) target(%arg8 : memref<80xi32, #tpu.memory_space<vmem>>) target_semaphore(%run_scoped3A : memref<!tpu.dma_semaphore, #tpu.memory_space<semaphore_mem>>)
        %dma_wait3A_27 = tpu.memref_slice %arg4[%add3A_14] : memref<320000xi32, #tpu.memory_space<hbm>> -> memref<80xi32, #tpu.memory_space<hbm>>
        %dma_wait3A_28 = tpu.memref_slice %arg4[%add3A_14] : memref<320000xi32, #tpu.memory_space<hbm>> -> memref<80xi32, #tpu.memory_space<hbm>>
        tpu.wait_dma2 semaphore(%run_scoped3A : memref<!tpu.dma_semaphore, #tpu.memory_space<semaphore_mem>>) src(%dma_wait3A_28 : memref<80xi32, #tpu.memory_space<hbm>>) dst(%arg8 : memref<80xi32, #tpu.memory_space<vmem>>)
        tpu.yield
      }) : () -> ()
      "tpu.region"() ({
        %run_scoped3A = tpu.sem_alloc : memref<!tpu.dma_semaphore, #tpu.memory_space<semaphore_mem>>
        %dma_start3A_25 = tpu.memref_slice %arg5[%add3A_14] : memref<320000xi32, #tpu.memory_space<hbm>> -> memref<80xi32, #tpu.memory_space<hbm>>
        %dma_start3A_26 = tpu.memref_slice %arg5[%add3A_14] : memref<320000xi32, #tpu.memory_space<hbm>> -> memref<80xi32, #tpu.memory_space<hbm>>
        tpu.enqueue_dma source(%dma_start3A_26 : memref<80xi32, #tpu.memory_space<hbm>>) target(%arg9 : memref<80xi32, #tpu.memory_space<vmem>>) target_semaphore(%run_scoped3A : memref<!tpu.dma_semaphore, #tpu.memory_space<semaphore_mem>>)
        %dma_wait3A_27 = tpu.memref_slice %arg5[%add3A_14] : memref<320000xi32, #tpu.memory_space<hbm>> -> memref<80xi32, #tpu.memory_space<hbm>>
        %dma_wait3A_28 = tpu.memref_slice %arg5[%add3A_14] : memref<320000xi32, #tpu.memory_space<hbm>> -> memref<80xi32, #tpu.memory_space<hbm>>
        tpu.wait_dma2 semaphore(%run_scoped3A : memref<!tpu.dma_semaphore, #tpu.memory_space<semaphore_mem>>) src(%dma_wait3A_28 : memref<80xi32, #tpu.memory_space<hbm>>) dst(%arg9 : memref<80xi32, #tpu.memory_space<vmem>>)
        tpu.yield
      }) : () -> ()
      %dma_start3A = arith.constant 0 : i32
      %dma_start3A_15 = arith.constant 0 : i32
      %dma_start3A_16 = tpu.memref_slice %arg2[%dma_start3A, %dma_start3A_15] : memref<10240x128xi32, #tpu.memory_space<hbm>> -> memref<10240x128xi32, #tpu.memory_space<hbm>>
      tpu.enqueue_indirect_dma source(%dma_start3A_16 : memref<10240x128xi32, #tpu.memory_space<hbm>>) target(%arg10 : memref<80x128xi32, #tpu.memory_space<vmem>>) offsets(%arg8 : memref<80xi32, #tpu.memory_space<vmem>>) semaphore(%arg12 : memref<!tpu.dma_semaphore, #tpu.memory_space<semaphore_mem>>)
      %dma_start3A_17 = arith.constant 0 : i32
      %dma_start3A_18 = arith.constant 0 : i32
      %dma_start3A_19 = tpu.memref_slice %arg3[%dma_start3A_17, %dma_start3A_18] : memref<10240x128xf32, #tpu.memory_space<hbm>> -> memref<10240x128xf32, #tpu.memory_space<hbm>>
      tpu.enqueue_indirect_dma source(%dma_start3A_19 : memref<10240x128xf32, #tpu.memory_space<hbm>>) target(%arg11 : memref<80x128xf32, #tpu.memory_space<vmem>>) offsets(%arg9 : memref<80xi32, #tpu.memory_space<vmem>>) semaphore(%arg13 : memref<!tpu.dma_semaphore, #tpu.memory_space<semaphore_mem>>)
      %dma_wait3A = arith.constant 0 : i32
      %dma_wait3A_20 = arith.constant 0 : i32
      %dma_wait3A_21 = tpu.memref_slice %arg2[%dma_wait3A, %dma_wait3A_20] : memref<10240x128xi32, #tpu.memory_space<hbm>> -> memref<10240x128xi32, #tpu.memory_space<hbm>>
      tpu.wait_indirect_dma semaphore(%arg12 : memref<!tpu.dma_semaphore, #tpu.memory_space<semaphore_mem>>) src(%dma_wait3A_21 : memref<10240x128xi32, #tpu.memory_space<hbm>>) dst(%arg10 : memref<80x128xi32, #tpu.memory_space<vmem>>)
      %dma_wait3A_22 = arith.constant 0 : i32
      %dma_wait3A_23 = arith.constant 0 : i32
      %dma_wait3A_24 = tpu.memref_slice %arg3[%dma_wait3A_22, %dma_wait3A_23] : memref<10240x128xf32, #tpu.memory_space<hbm>> -> memref<10240x128xf32, #tpu.memory_space<hbm>>
      tpu.wait_indirect_dma semaphore(%arg13 : memref<!tpu.dma_semaphore, #tpu.memory_space<semaphore_mem>>) src(%dma_wait3A_24 : memref<10240x128xf32, #tpu.memory_space<hbm>>) dst(%arg11 : memref<80x128xf32, #tpu.memory_space<vmem>>)
      "tpu.region"() ({
        %run_scoped3A = tpu.sem_alloc : memref<!tpu.dma_semaphore, #tpu.memory_space<semaphore_mem>>
        %dma_start3A_25 = arith.constant 0 : i32
        %dma_start3A_26 = tpu.memref_slice %arg6[%add3A_14, %dma_start3A_25] : memref<320000x128xi32, #tpu.memory_space<hbm>> -> memref<80x128xi32, #tpu.memory_space<hbm>>
        %dma_start3A_27 = arith.constant 0 : i32
        %dma_start3A_28 = tpu.memref_slice %arg6[%add3A_14, %dma_start3A_27] : memref<320000x128xi32, #tpu.memory_space<hbm>> -> memref<80x128xi32, #tpu.memory_space<hbm>>
        tpu.enqueue_dma source(%arg10 : memref<80x128xi32, #tpu.memory_space<vmem>>) target(%dma_start3A_28 : memref<80x128xi32, #tpu.memory_space<hbm>>) target_semaphore(%run_scoped3A : memref<!tpu.dma_semaphore, #tpu.memory_space<semaphore_mem>>)
        %dma_wait3A_29 = arith.constant 0 : i32
        %dma_wait3A_30 = tpu.memref_slice %arg6[%add3A_14, %dma_wait3A_29] : memref<320000x128xi32, #tpu.memory_space<hbm>> -> memref<80x128xi32, #tpu.memory_space<hbm>>
        %dma_wait3A_31 = arith.constant 0 : i32
        %dma_wait3A_32 = tpu.memref_slice %arg6[%add3A_14, %dma_wait3A_31] : memref<320000x128xi32, #tpu.memory_space<hbm>> -> memref<80x128xi32, #tpu.memory_space<hbm>>
        tpu.wait_dma2 semaphore(%run_scoped3A : memref<!tpu.dma_semaphore, #tpu.memory_space<semaphore_mem>>) src(%arg10 : memref<80x128xi32, #tpu.memory_space<vmem>>) dst(%dma_wait3A_32 : memref<80x128xi32, #tpu.memory_space<hbm>>)
        tpu.yield
      }) : () -> ()
      "tpu.region"() ({
        %run_scoped3A = tpu.sem_alloc : memref<!tpu.dma_semaphore, #tpu.memory_space<semaphore_mem>>
        %dma_start3A_25 = arith.constant 0 : i32
        %dma_start3A_26 = tpu.memref_slice %arg7[%add3A_14, %dma_start3A_25] : memref<320000x128xf32, #tpu.memory_space<hbm>> -> memref<80x128xf32, #tpu.memory_space<hbm>>
        %dma_start3A_27 = arith.constant 0 : i32
        %dma_start3A_28 = tpu.memref_slice %arg7[%add3A_14, %dma_start3A_27] : memref<320000x128xf32, #tpu.memory_space<hbm>> -> memref<80x128xf32, #tpu.memory_space<hbm>>
        tpu.enqueue_dma source(%arg11 : memref<80x128xf32, #tpu.memory_space<vmem>>) target(%dma_start3A_28 : memref<80x128xf32, #tpu.memory_space<hbm>>) target_semaphore(%run_scoped3A : memref<!tpu.dma_semaphore, #tpu.memory_space<semaphore_mem>>)
        %dma_wait3A_29 = arith.constant 0 : i32
        %dma_wait3A_30 = tpu.memref_slice %arg7[%add3A_14, %dma_wait3A_29] : memref<320000x128xf32, #tpu.memory_space<hbm>> -> memref<80x128xf32, #tpu.memory_space<hbm>>
        %dma_wait3A_31 = arith.constant 0 : i32
        %dma_wait3A_32 = tpu.memref_slice %arg7[%add3A_14, %dma_wait3A_31] : memref<320000x128xf32, #tpu.memory_space<hbm>> -> memref<80x128xf32, #tpu.memory_space<hbm>>
        tpu.wait_dma2 semaphore(%run_scoped3A : memref<!tpu.dma_semaphore, #tpu.memory_space<semaphore_mem>>) src(%arg11 : memref<80x128xf32, #tpu.memory_space<vmem>>) dst(%dma_wait3A_32 : memref<80x128xf32, #tpu.memory_space<hbm>>)
        tpu.yield
      }) : () -> ()
    }
    %scan3A_6 = arith.constant 125 : i32
    return
  }
}

#map = affine_map<(d0, d1) -> (0, 0)>
#map1 = affine_map<(d0, d1) -> (0)>
#map2 = affine_map<(d0, d1) -> (0, 0, 0)>
module attributes {stable_mosaic.version = 14 : i64} {
  func.func @k(%arg0: i32, %arg1: i32, %arg2: memref<320000x128xf32, #tpu.memory_space<hbm>>, %arg3: memref<320000x128xf32, #tpu.memory_space<hbm>>, %arg4: memref<320000xi32, #tpu.memory_space<hbm>>, %arg5: memref<2x10320x128xf32, #tpu.memory_space<hbm>>, %arg6: memref<80xi32, #tpu.memory_space<vmem>>, %arg7: memref<80xi32, #tpu.memory_space<vmem>>, %arg8: memref<80x128xf32, #tpu.memory_space<vmem>>, %arg9: memref<80x128xf32, #tpu.memory_space<vmem>>, %arg10: memref<128x128xf32, #tpu.memory_space<vmem>>, %arg11: memref<10320x128xf32, #tpu.memory_space<vmem_shared>>) attributes {dimension_semantics = [#tpu.dimension_semantics<core_parallel>, #tpu.dimension_semantics<subcore_parallel>], iteration_bounds = array<i64: 2, 16>, scalar_prefetch = 0 : i64, scratch_operands = 6 : i64, tpu.core_type = #tpu.core_type<sc_vector_subcore>, window_params = [{transform_indices = #map}, {transform_indices = #map}, {transform_indices = #map1}, {transform_indices = #map2}]} {
    %mul3A = arith.constant 2 : i32
    %mul3A_0 = arith.muli %arg1, %mul3A : i32
    %add3A = arith.addi %mul3A_0, %arg0 : i32
    %mul3A_1 = arith.constant 10000 : i32
    %mul3A_2 = arith.muli %add3A, %mul3A_1 : i32
    %broadcast_in_dim3A = arith.constant 0.000000e+00 : f32
    %broadcast_in_dim3A_3 = vector.broadcast %broadcast_in_dim3A : f32 to vector<16xf32>
    %scan3A = arith.constant 0 : i32
    %scan3A_4 = arith.constant 128 : i32
    %scan3A_5 = arith.addi %scan3A, %scan3A_4 : i32
    %scan3A_6 = arith.constant 1 : i32
    scf.for %scan3A_31 = %scan3A to %scan3A_5 step %scan3A_6  : i32 {
      %mul3A_32 = arith.constant 1 : i32
      %mul3A_33 = arith.muli %scan3A_31, %mul3A_32 : i32
      %add3A_34 = arith.constant 0 : i32
      %add3A_35 = arith.addi %add3A_34, %mul3A_33 : i32
      %swap3A = arith.index_cast %add3A_35 : i32 to index
      %swap3A_36 = arith.constant 0 : index
      %swap3A_37 = tpu.vector_load %arg10[%swap3A, %swap3A_36] {strides = array<i32>} : memref<128x128xf32, #tpu.memory_space<vmem>>, vector<1x16xf32>,
      %swap3A_38 = vector.shape_cast %swap3A_37 : vector<1x16xf32> to vector<16xf32>
      %swap3A_39 = vector.shape_cast %broadcast_in_dim3A_3 : vector<16xf32> to vector<1x16xf32>
      tpu.vector_store %arg10[%swap3A, %swap3A_36], %swap3A_39 {strides = array<i32>} : memref<128x128xf32, #tpu.memory_space<vmem>>, vector<1x16xf32>,
      %swap3A_40 = arith.index_cast %add3A_35 : i32 to index
      %swap3A_41 = arith.constant 16 : index
      %swap3A_42 = tpu.vector_load %arg10[%swap3A_40, %swap3A_41] {strides = array<i32>} : memref<128x128xf32, #tpu.memory_space<vmem>>, vector<1x16xf32>,
      %swap3A_43 = vector.shape_cast %swap3A_42 : vector<1x16xf32> to vector<16xf32>
      %swap3A_44 = vector.shape_cast %broadcast_in_dim3A_3 : vector<16xf32> to vector<1x16xf32>
      tpu.vector_store %arg10[%swap3A_40, %swap3A_41], %swap3A_44 {strides = array<i32>} : memref<128x128xf32, #tpu.memory_space<vmem>>, vector<1x16xf32>,
      %swap3A_45 = arith.index_cast %add3A_35 : i32 to index
      %swap3A_46 = arith.constant 32 : index
      %swap3A_47 = tpu.vector_load %arg10[%swap3A_45, %swap3A_46] {strides = array<i32>} : memref<128x128xf32, #tpu.memory_space<vmem>>, vector<1x16xf32>,
      %swap3A_48 = vector.shape_cast %swap3A_47 : vector<1x16xf32> to vector<16xf32>
      %swap3A_49 = vector.shape_cast %broadcast_in_dim3A_3 : vector<16xf32> to vector<1x16xf32>
      tpu.vector_store %arg10[%swap3A_45, %swap3A_46], %swap3A_49 {strides = array<i32>} : memref<128x128xf32, #tpu.memory_space<vmem>>, vector<1x16xf32>,
      %swap3A_50 = arith.index_cast %add3A_35 : i32 to index
      %swap3A_51 = arith.constant 48 : index
      %swap3A_52 = tpu.vector_load %arg10[%swap3A_50, %swap3A_51] {strides = array<i32>} : memref<128x128xf32, #tpu.memory_space<vmem>>, vector<1x16xf32>,
      %swap3A_53 = vector.shape_cast %swap3A_52 : vector<1x16xf32> to vector<16xf32>
      %swap3A_54 = vector.shape_cast %broadcast_in_dim3A_3 : vector<16xf32> to vector<1x16xf32>
      tpu.vector_store %arg10[%swap3A_50, %swap3A_51], %swap3A_54 {strides = array<i32>} : memref<128x128xf32, #tpu.memory_space<vmem>>, vector<1x16xf32>,
      %swap3A_55 = arith.index_cast %add3A_35 : i32 to index
      %swap3A_56 = arith.constant 64 : index
      %swap3A_57 = tpu.vector_load %arg10[%swap3A_55, %swap3A_56] {strides = array<i32>} : memref<128x128xf32, #tpu.memory_space<vmem>>, vector<1x16xf32>,
      %swap3A_58 = vector.shape_cast %swap3A_57 : vector<1x16xf32> to vector<16xf32>
      %swap3A_59 = vector.shape_cast %broadcast_in_dim3A_3 : vector<16xf32> to vector<1x16xf32>
      tpu.vector_store %arg10[%swap3A_55, %swap3A_56], %swap3A_59 {strides = array<i32>} : memref<128x128xf32, #tpu.memory_space<vmem>>, vector<1x16xf32>,
      %swap3A_60 = arith.index_cast %add3A_35 : i32 to index
      %swap3A_61 = arith.constant 80 : index
      %swap3A_62 = tpu.vector_load %arg10[%swap3A_60, %swap3A_61] {strides = array<i32>} : memref<128x128xf32, #tpu.memory_space<vmem>>, vector<1x16xf32>,
      %swap3A_63 = vector.shape_cast %swap3A_62 : vector<1x16xf32> to vector<16xf32>
      %swap3A_64 = vector.shape_cast %broadcast_in_dim3A_3 : vector<16xf32> to vector<1x16xf32>
      tpu.vector_store %arg10[%swap3A_60, %swap3A_61], %swap3A_64 {strides = array<i32>} : memref<128x128xf32, #tpu.memory_space<vmem>>, vector<1x16xf32>,
      %swap3A_65 = arith.index_cast %add3A_35 : i32 to index
      %swap3A_66 = arith.constant 96 : index
      %swap3A_67 = tpu.vector_load %arg10[%swap3A_65, %swap3A_66] {strides = array<i32>} : memref<128x128xf32, #tpu.memory_space<vmem>>, vector<1x16xf32>,
      %swap3A_68 = vector.shape_cast %swap3A_67 : vector<1x16xf32> to vector<16xf32>
      %swap3A_69 = vector.shape_cast %broadcast_in_dim3A_3 : vector<16xf32> to vector<1x16xf32>
      tpu.vector_store %arg10[%swap3A_65, %swap3A_66], %swap3A_69 {strides = array<i32>} : memref<128x128xf32, #tpu.memory_space<vmem>>, vector<1x16xf32>,
      %swap3A_70 = arith.index_cast %add3A_35 : i32 to index
      %swap3A_71 = arith.constant 112 : index
      %swap3A_72 = tpu.vector_load %arg10[%swap3A_70, %swap3A_71] {strides = array<i32>} : memref<128x128xf32, #tpu.memory_space<vmem>>, vector<1x16xf32>,
      %swap3A_73 = vector.shape_cast %swap3A_72 : vector<1x16xf32> to vector<16xf32>
      %swap3A_74 = vector.shape_cast %broadcast_in_dim3A_3 : vector<16xf32> to vector<1x16xf32>
      tpu.vector_store %arg10[%swap3A_70, %swap3A_71], %swap3A_74 {strides = array<i32>} : memref<128x128xf32, #tpu.memory_space<vmem>>, vector<1x16xf32>,
    }
    %scan3A_7 = arith.constant 128 : i32
    %scan3A_8 = arith.constant 0 : i32
    %scan3A_9 = arith.constant 5 : i32
    %scan3A_10 = arith.addi %scan3A_8, %scan3A_9 : i32
    %scan3A_11 = arith.constant 1 : i32
    scf.for %scan3A_31 = %scan3A_8 to %scan3A_10 step %scan3A_11  : i32 {
      %mul3A_32 = arith.constant 1 : i32
      %mul3A_33 = arith.muli %scan3A_31, %mul3A_32 : i32
      %add3A_34 = arith.constant 0 : i32
      %add3A_35 = arith.addi %add3A_34, %mul3A_33 : i32
      %mul3A_36 = arith.constant 640 : i32
      %mul3A_37 = arith.muli %arg1, %mul3A_36 : i32
      %mul3A_38 = arith.constant 128 : i32
      %mul3A_39 = arith.muli %add3A_35, %mul3A_38 : i32
      %add3A_40 = arith.addi %mul3A_37, %mul3A_39 : i32
      "tpu.region"() ({
        %run_scoped3A = tpu.sem_alloc : memref<!tpu.dma_semaphore, #tpu.memory_space<semaphore_mem>>
        %dma_start3A = arith.constant 0 : i32
        %dma_start3A_41 = tpu.memref_slice %arg11[%add3A_40, %dma_start3A] : memref<10320x128xf32, #tpu.memory_space<vmem_shared>> -> memref<128x128xf32, #tpu.memory_space<vmem_shared>>
        %dma_start3A_42 = arith.constant 0 : i32
        %dma_start3A_43 = tpu.memref_slice %arg11[%add3A_40, %dma_start3A_42] : memref<10320x128xf32, #tpu.memory_space<vmem_shared>> -> memref<128x128xf32, #tpu.memory_space<vmem_shared>>
        tpu.enqueue_dma source(%arg10 : memref<128x128xf32, #tpu.memory_space<vmem>>) target(%dma_start3A_43 : memref<128x128xf32, #tpu.memory_space<vmem_shared>>) target_semaphore(%run_scoped3A : memref<!tpu.dma_semaphore, #tpu.memory_space<semaphore_mem>>)
        %dma_wait3A = arith.constant 0 : i32
        %dma_wait3A_44 = tpu.memref_slice %arg11[%add3A_40, %dma_wait3A] : memref<10320x128xf32, #tpu.memory_space<vmem_shared>> -> memref<128x128xf32, #tpu.memory_space<vmem_shared>>
        %dma_wait3A_45 = arith.constant 0 : i32
        %dma_wait3A_46 = tpu.memref_slice %arg11[%add3A_40, %dma_wait3A_45] : memref<10320x128xf32, #tpu.memory_space<vmem_shared>> -> memref<128x128xf32, #tpu.memory_space<vmem_shared>>
        tpu.wait_dma2 semaphore(%run_scoped3A : memref<!tpu.dma_semaphore, #tpu.memory_space<semaphore_mem>>) src(%arg10 : memref<128x128xf32, #tpu.memory_space<vmem>>) dst(%dma_wait3A_46 : memref<128x128xf32, #tpu.memory_space<vmem_shared>>)
        tpu.yield
      }) : () -> ()
    }
    %scan3A_12 = arith.constant 5 : i32
    %eq3A = arith.constant 0 : i32
    %eq3A_13 = arith.cmpi eq, %arg1, %eq3A : i32
    %convert_element_type3A = arith.extui %eq3A_13 : i1 to i32
    %cond3A = arith.constant 0 : i32
    %cond3A_14 = arith.cmpi ne, %convert_element_type3A, %cond3A : i32
    scf.if %cond3A_14 {
      "tpu.region"() ({
        %run_scoped3A = tpu.sem_alloc : memref<!tpu.dma_semaphore, #tpu.memory_space<semaphore_mem>>
        %dma_start3A = arith.constant 0 : i32
        %dma_start3A_31 = arith.constant 0 : i32
        %dma_start3A_32 = tpu.memref_slice %arg10[%dma_start3A, %dma_start3A_31] : memref<128x128xf32, #tpu.memory_space<vmem>> -> memref<80x128xf32, #tpu.memory_space<vmem>>
        %dma_start3A_33 = arith.constant 10240 : i32
        %dma_start3A_34 = arith.constant 0 : i32
        %dma_start3A_35 = tpu.memref_slice %arg11[%dma_start3A_33, %dma_start3A_34] : memref<10320x128xf32, #tpu.memory_space<vmem_shared>> -> memref<80x128xf32, #tpu.memory_space<vmem_shared>>
        %dma_start3A_36 = arith.constant 10240 : i32
        %dma_start3A_37 = arith.constant 0 : i32
        %dma_start3A_38 = tpu.memref_slice %arg11[%dma_start3A_36, %dma_start3A_37] : memref<10320x128xf32, #tpu.memory_space<vmem_shared>> -> memref<80x128xf32, #tpu.memory_space<vmem_shared>>
        %dma_start3A_39 = arith.constant 0 : i32
        %dma_start3A_40 = arith.constant 0 : i32
        %dma_start3A_41 = tpu.memref_slice %arg10[%dma_start3A_39, %dma_start3A_40] : memref<128x128xf32, #tpu.memory_space<vmem>> -> memref<80x128xf32, #tpu.memory_space<vmem>>
        tpu.enqueue_dma source(%dma_start3A_41 : memref<80x128xf32, #tpu.memory_space<vmem>>) target(%dma_start3A_38 : memref<80x128xf32, #tpu.memory_space<vmem_shared>>) target_semaphore(%run_scoped3A : memref<!tpu.dma_semaphore, #tpu.memory_space<semaphore_mem>>)
        %dma_wait3A = arith.constant 0 : i32
        %dma_wait3A_42 = arith.constant 0 : i32
        %dma_wait3A_43 = tpu.memref_slice %arg10[%dma_wait3A, %dma_wait3A_42] : memref<128x128xf32, #tpu.memory_space<vmem>> -> memref<80x128xf32, #tpu.memory_space<vmem>>
        %dma_wait3A_44 = arith.constant 10240 : i32
        %dma_wait3A_45 = arith.constant 0 : i32
        %dma_wait3A_46 = tpu.memref_slice %arg11[%dma_wait3A_44, %dma_wait3A_45] : memref<10320x128xf32, #tpu.memory_space<vmem_shared>> -> memref<80x128xf32, #tpu.memory_space<vmem_shared>>
        %dma_wait3A_47 = arith.constant 10240 : i32
        %dma_wait3A_48 = arith.constant 0 : i32
        %dma_wait3A_49 = tpu.memref_slice %arg11[%dma_wait3A_47, %dma_wait3A_48] : memref<10320x128xf32, #tpu.memory_space<vmem_shared>> -> memref<80x128xf32, #tpu.memory_space<vmem_shared>>
        %dma_wait3A_50 = arith.constant 0 : i32
        %dma_wait3A_51 = arith.constant 0 : i32
        %dma_wait3A_52 = tpu.memref_slice %arg10[%dma_wait3A_50, %dma_wait3A_51] : memref<128x128xf32, #tpu.memory_space<vmem>> -> memref<80x128xf32, #tpu.memory_space<vmem>>
        tpu.wait_dma2 semaphore(%run_scoped3A : memref<!tpu.dma_semaphore, #tpu.memory_space<semaphore_mem>>) src(%dma_wait3A_52 : memref<80x128xf32, #tpu.memory_space<vmem>>) dst(%dma_wait3A_49 : memref<80x128xf32, #tpu.memory_space<vmem_shared>>)
        tpu.yield
      }) : () -> ()
    } else {
    }
    %barrier3A = arith.constant 0 : index
    tpu.barrier barrier_id(%barrier3A)
    %scan3A_15 = arith.constant 0 : i32
    %scan3A_16 = arith.constant 125 : i32
    %scan3A_17 = arith.addi %scan3A_15, %scan3A_16 : i32
    %scan3A_18 = arith.constant 1 : i32
    scf.for %scan3A_31 = %scan3A_15 to %scan3A_17 step %scan3A_18  : i32 {
      %mul3A_32 = arith.constant 1 : i32
      %mul3A_33 = arith.muli %scan3A_31, %mul3A_32 : i32
      %add3A_34 = arith.constant 0 : i32
      %add3A_35 = arith.addi %add3A_34, %mul3A_33 : i32
      %mul3A_36 = arith.constant 80 : i32
      %mul3A_37 = arith.muli %add3A_35, %mul3A_36 : i32
      %add3A_38 = arith.addi %mul3A_2, %mul3A_37 : i32
      "tpu.region"() ({
        %run_scoped3A = tpu.sem_alloc : memref<!tpu.dma_semaphore, #tpu.memory_space<semaphore_mem>>
        %dma_start3A = tpu.memref_slice %arg4[%add3A_38] : memref<320000xi32, #tpu.memory_space<hbm>> -> memref<80xi32, #tpu.memory_space<hbm>>
        %dma_start3A_101 = tpu.memref_slice %arg4[%add3A_38] : memref<320000xi32, #tpu.memory_space<hbm>> -> memref<80xi32, #tpu.memory_space<hbm>>
        tpu.enqueue_dma source(%dma_start3A_101 : memref<80xi32, #tpu.memory_space<hbm>>) target(%arg6 : memref<80xi32, #tpu.memory_space<vmem>>) target_semaphore(%run_scoped3A : memref<!tpu.dma_semaphore, #tpu.memory_space<semaphore_mem>>)
        %dma_wait3A = tpu.memref_slice %arg4[%add3A_38] : memref<320000xi32, #tpu.memory_space<hbm>> -> memref<80xi32, #tpu.memory_space<hbm>>
        %dma_wait3A_102 = tpu.memref_slice %arg4[%add3A_38] : memref<320000xi32, #tpu.memory_space<hbm>> -> memref<80xi32, #tpu.memory_space<hbm>>
        tpu.wait_dma2 semaphore(%run_scoped3A : memref<!tpu.dma_semaphore, #tpu.memory_space<semaphore_mem>>) src(%dma_wait3A_102 : memref<80xi32, #tpu.memory_space<hbm>>) dst(%arg6 : memref<80xi32, #tpu.memory_space<vmem>>)
        tpu.yield
      }) : () -> ()
      "tpu.region"() ({
        %run_scoped3A = tpu.sem_alloc : memref<!tpu.dma_semaphore, #tpu.memory_space<semaphore_mem>>
        %dma_start3A = arith.constant 0 : i32
        %dma_start3A_101 = tpu.memref_slice %arg2[%add3A_38, %dma_start3A] : memref<320000x128xf32, #tpu.memory_space<hbm>> -> memref<80x128xf32, #tpu.memory_space<hbm>>
        %dma_start3A_102 = arith.constant 0 : i32
        %dma_start3A_103 = tpu.memref_slice %arg2[%add3A_38, %dma_start3A_102] : memref<320000x128xf32, #tpu.memory_space<hbm>> -> memref<80x128xf32, #tpu.memory_space<hbm>>
        tpu.enqueue_dma source(%dma_start3A_103 : memref<80x128xf32, #tpu.memory_space<hbm>>) target(%arg8 : memref<80x128xf32, #tpu.memory_space<vmem>>) target_semaphore(%run_scoped3A : memref<!tpu.dma_semaphore, #tpu.memory_space<semaphore_mem>>)
        %dma_wait3A = arith.constant 0 : i32
        %dma_wait3A_104 = tpu.memref_slice %arg2[%add3A_38, %dma_wait3A] : memref<320000x128xf32, #tpu.memory_space<hbm>> -> memref<80x128xf32, #tpu.memory_space<hbm>>
        %dma_wait3A_105 = arith.constant 0 : i32
        %dma_wait3A_106 = tpu.memref_slice %arg2[%add3A_38, %dma_wait3A_105] : memref<320000x128xf32, #tpu.memory_space<hbm>> -> memref<80x128xf32, #tpu.memory_space<hbm>>
        tpu.wait_dma2 semaphore(%run_scoped3A : memref<!tpu.dma_semaphore, #tpu.memory_space<semaphore_mem>>) src(%dma_wait3A_106 : memref<80x128xf32, #tpu.memory_space<hbm>>) dst(%arg8 : memref<80x128xf32, #tpu.memory_space<vmem>>)
        tpu.yield
      }) : () -> ()
      "tpu.region"() ({
        %run_scoped3A = tpu.sem_alloc : memref<!tpu.dma_semaphore, #tpu.memory_space<semaphore_mem>>
        %dma_start3A = arith.constant 0 : i32
        %dma_start3A_101 = tpu.memref_slice %arg3[%add3A_38, %dma_start3A] : memref<320000x128xf32, #tpu.memory_space<hbm>> -> memref<80x128xf32, #tpu.memory_space<hbm>>
        %dma_start3A_102 = arith.constant 0 : i32
        %dma_start3A_103 = tpu.memref_slice %arg3[%add3A_38, %dma_start3A_102] : memref<320000x128xf32, #tpu.memory_space<hbm>> -> memref<80x128xf32, #tpu.memory_space<hbm>>
        tpu.enqueue_dma source(%dma_start3A_103 : memref<80x128xf32, #tpu.memory_space<hbm>>) target(%arg9 : memref<80x128xf32, #tpu.memory_space<vmem>>) target_semaphore(%run_scoped3A : memref<!tpu.dma_semaphore, #tpu.memory_space<semaphore_mem>>)
        %dma_wait3A = arith.constant 0 : i32
        %dma_wait3A_104 = tpu.memref_slice %arg3[%add3A_38, %dma_wait3A] : memref<320000x128xf32, #tpu.memory_space<hbm>> -> memref<80x128xf32, #tpu.memory_space<hbm>>
        %dma_wait3A_105 = arith.constant 0 : i32
        %dma_wait3A_106 = tpu.memref_slice %arg3[%add3A_38, %dma_wait3A_105] : memref<320000x128xf32, #tpu.memory_space<hbm>> -> memref<80x128xf32, #tpu.memory_space<hbm>>
        tpu.wait_dma2 semaphore(%run_scoped3A : memref<!tpu.dma_semaphore, #tpu.memory_space<semaphore_mem>>) src(%dma_wait3A_106 : memref<80x128xf32, #tpu.memory_space<hbm>>) dst(%arg9 : memref<80x128xf32, #tpu.memory_space<vmem>>)
        tpu.yield
      }) : () -> ()
      %get3A = arith.constant 0 : index
      %get3A_39 = tpu.vector_load %arg6[%get3A] {strides = array<i32>} : memref<80xi32, #tpu.memory_space<vmem>>, vector<16xi32>,
      %get3A_40 = vector.shape_cast %get3A_39 : vector<16xi32> to vector<16xi32>
      %shift_right_logical3A = arith.constant 7 : i32
      %shift_right_logical3A_41 = vector.broadcast %shift_right_logical3A : i32 to vector<16xi32>
      %shift_right_logical3A_42 = arith.shrui %get3A_40, %shift_right_logical3A_41 : vector<16xi32>
      %add3A_43 = arith.constant 10240 : i32
      %add3A_44 = vector.broadcast %add3A_43 : i32 to vector<16xi32>
      %add3A_45 = arith.addi %add3A_44, %shift_right_logical3A_42 : vector<16xi32>
      %swap3A = arith.constant 0 : index
      %swap3A_46 = tpu.vector_load %arg7[%swap3A] {strides = array<i32>} : memref<80xi32, #tpu.memory_space<vmem>>, vector<16xi32>,
      %swap3A_47 = vector.shape_cast %swap3A_46 : vector<16xi32> to vector<16xi32>
      %swap3A_48 = vector.shape_cast %add3A_45 : vector<16xi32> to vector<16xi32>
      tpu.vector_store %arg7[%swap3A], %swap3A_48 {strides = array<i32>} : memref<80xi32, #tpu.memory_space<vmem>>, vector<16xi32>,
      %get3A_49 = arith.constant 16 : index
      %get3A_50 = tpu.vector_load %arg6[%get3A_49] {strides = array<i32>} : memref<80xi32, #tpu.memory_space<vmem>>, vector<16xi32>,
      %get3A_51 = vector.shape_cast %get3A_50 : vector<16xi32> to vector<16xi32>
      %shift_right_logical3A_52 = arith.constant 7 : i32
      %shift_right_logical3A_53 = vector.broadcast %shift_right_logical3A_52 : i32 to vector<16xi32>
      %shift_right_logical3A_54 = arith.shrui %get3A_51, %shift_right_logical3A_53 : vector<16xi32>
      %add3A_55 = arith.constant 10240 : i32
      %add3A_56 = vector.broadcast %add3A_55 : i32 to vector<16xi32>
      %add3A_57 = arith.addi %add3A_56, %shift_right_logical3A_54 : vector<16xi32>
      %swap3A_58 = arith.constant 16 : index
      %swap3A_59 = tpu.vector_load %arg7[%swap3A_58] {strides = array<i32>} : memref<80xi32, #tpu.memory_space<vmem>>, vector<16xi32>,
      %swap3A_60 = vector.shape_cast %swap3A_59 : vector<16xi32> to vector<16xi32>
      %swap3A_61 = vector.shape_cast %add3A_57 : vector<16xi32> to vector<16xi32>
      tpu.vector_store %arg7[%swap3A_58], %swap3A_61 {strides = array<i32>} : memref<80xi32, #tpu.memory_space<vmem>>, vector<16xi32>,
      %get3A_62 = arith.constant 32 : index
      %get3A_63 = tpu.vector_load %arg6[%get3A_62] {strides = array<i32>} : memref<80xi32, #tpu.memory_space<vmem>>, vector<16xi32>,
      %get3A_64 = vector.shape_cast %get3A_63 : vector<16xi32> to vector<16xi32>
      %shift_right_logical3A_65 = arith.constant 7 : i32
      %shift_right_logical3A_66 = vector.broadcast %shift_right_logical3A_65 : i32 to vector<16xi32>
      %shift_right_logical3A_67 = arith.shrui %get3A_64, %shift_right_logical3A_66 : vector<16xi32>
      %add3A_68 = arith.constant 10240 : i32
      %add3A_69 = vector.broadcast %add3A_68 : i32 to vector<16xi32>
      %add3A_70 = arith.addi %add3A_69, %shift_right_logical3A_67 : vector<16xi32>
      %swap3A_71 = arith.constant 32 : index
      %swap3A_72 = tpu.vector_load %arg7[%swap3A_71] {strides = array<i32>} : memref<80xi32, #tpu.memory_space<vmem>>, vector<16xi32>,
      %swap3A_73 = vector.shape_cast %swap3A_72 : vector<16xi32> to vector<16xi32>
      %swap3A_74 = vector.shape_cast %add3A_70 : vector<16xi32> to vector<16xi32>
      tpu.vector_store %arg7[%swap3A_71], %swap3A_74 {strides = array<i32>} : memref<80xi32, #tpu.memory_space<vmem>>, vector<16xi32>,
      %get3A_75 = arith.constant 48 : index
      %get3A_76 = tpu.vector_load %arg6[%get3A_75] {strides = array<i32>} : memref<80xi32, #tpu.memory_space<vmem>>, vector<16xi32>,
      %get3A_77 = vector.shape_cast %get3A_76 : vector<16xi32> to vector<16xi32>
      %shift_right_logical3A_78 = arith.constant 7 : i32
      %shift_right_logical3A_79 = vector.broadcast %shift_right_logical3A_78 : i32 to vector<16xi32>
      %shift_right_logical3A_80 = arith.shrui %get3A_77, %shift_right_logical3A_79 : vector<16xi32>
      %add3A_81 = arith.constant 10240 : i32
      %add3A_82 = vector.broadcast %add3A_81 : i32 to vector<16xi32>
      %add3A_83 = arith.addi %add3A_82, %shift_right_logical3A_80 : vector<16xi32>
      %swap3A_84 = arith.constant 48 : index
      %swap3A_85 = tpu.vector_load %arg7[%swap3A_84] {strides = array<i32>} : memref<80xi32, #tpu.memory_space<vmem>>, vector<16xi32>,
      %swap3A_86 = vector.shape_cast %swap3A_85 : vector<16xi32> to vector<16xi32>
      %swap3A_87 = vector.shape_cast %add3A_83 : vector<16xi32> to vector<16xi32>
      tpu.vector_store %arg7[%swap3A_84], %swap3A_87 {strides = array<i32>} : memref<80xi32, #tpu.memory_space<vmem>>, vector<16xi32>,
      %get3A_88 = arith.constant 64 : index
      %get3A_89 = tpu.vector_load %arg6[%get3A_88] {strides = array<i32>} : memref<80xi32, #tpu.memory_space<vmem>>, vector<16xi32>,
      %get3A_90 = vector.shape_cast %get3A_89 : vector<16xi32> to vector<16xi32>
      %shift_right_logical3A_91 = arith.constant 7 : i32
      %shift_right_logical3A_92 = vector.broadcast %shift_right_logical3A_91 : i32 to vector<16xi32>
      %shift_right_logical3A_93 = arith.shrui %get3A_90, %shift_right_logical3A_92 : vector<16xi32>
      %add3A_94 = arith.constant 10240 : i32
      %add3A_95 = vector.broadcast %add3A_94 : i32 to vector<16xi32>
      %add3A_96 = arith.addi %add3A_95, %shift_right_logical3A_93 : vector<16xi32>
      %swap3A_97 = arith.constant 64 : index
      %swap3A_98 = tpu.vector_load %arg7[%swap3A_97] {strides = array<i32>} : memref<80xi32, #tpu.memory_space<vmem>>, vector<16xi32>,
      %swap3A_99 = vector.shape_cast %swap3A_98 : vector<16xi32> to vector<16xi32>
      %swap3A_100 = vector.shape_cast %add3A_96 : vector<16xi32> to vector<16xi32>
      tpu.vector_store %arg7[%swap3A_97], %swap3A_100 {strides = array<i32>} : memref<80xi32, #tpu.memory_space<vmem>>, vector<16xi32>,
      "tpu.region"() ({
        %run_scoped3A = tpu.sem_alloc : memref<!tpu.dma_semaphore, #tpu.memory_space<semaphore_mem>>
        %dma_start3A = arith.constant 0 : i32
        %dma_start3A_101 = arith.constant 0 : i32
        %dma_start3A_102 = tpu.memref_slice %arg11[%dma_start3A, %dma_start3A_101] : memref<10320x128xf32, #tpu.memory_space<vmem_shared>> -> memref<10320x128xf32, #tpu.memory_space<vmem_shared>>
        tpu.enqueue_indirect_dma source(%arg8 : memref<80x128xf32, #tpu.memory_space<vmem>>) target(%dma_start3A_102 : memref<10320x128xf32, #tpu.memory_space<vmem_shared>>) offsets(%arg6 : memref<80xi32, #tpu.memory_space<vmem>>) semaphore(%run_scoped3A : memref<!tpu.dma_semaphore, #tpu.memory_space<semaphore_mem>>) {add = true}
        %dma_wait3A = arith.constant 0 : i32
        %dma_wait3A_103 = arith.constant 0 : i32
        %dma_wait3A_104 = tpu.memref_slice %arg11[%dma_wait3A, %dma_wait3A_103] : memref<10320x128xf32, #tpu.memory_space<vmem_shared>> -> memref<10320x128xf32, #tpu.memory_space<vmem_shared>>
        tpu.wait_indirect_dma semaphore(%run_scoped3A : memref<!tpu.dma_semaphore, #tpu.memory_space<semaphore_mem>>) src(%arg8 : memref<80x128xf32, #tpu.memory_space<vmem>>) dst(%dma_wait3A_104 : memref<10320x128xf32, #tpu.memory_space<vmem_shared>>)
        tpu.yield
      }) : () -> ()
      "tpu.region"() ({
        %run_scoped3A = tpu.sem_alloc : memref<!tpu.dma_semaphore, #tpu.memory_space<semaphore_mem>>
        %dma_start3A = arith.constant 0 : i32
        %dma_start3A_101 = arith.constant 0 : i32
        %dma_start3A_102 = tpu.memref_slice %arg11[%dma_start3A, %dma_start3A_101] : memref<10320x128xf32, #tpu.memory_space<vmem_shared>> -> memref<10320x128xf32, #tpu.memory_space<vmem_shared>>
        tpu.enqueue_indirect_dma source(%arg9 : memref<80x128xf32, #tpu.memory_space<vmem>>) target(%dma_start3A_102 : memref<10320x128xf32, #tpu.memory_space<vmem_shared>>) offsets(%arg7 : memref<80xi32, #tpu.memory_space<vmem>>) semaphore(%run_scoped3A : memref<!tpu.dma_semaphore, #tpu.memory_space<semaphore_mem>>) {add = true}
        %dma_wait3A = arith.constant 0 : i32
        %dma_wait3A_103 = arith.constant 0 : i32
        %dma_wait3A_104 = tpu.memref_slice %arg11[%dma_wait3A, %dma_wait3A_103] : memref<10320x128xf32, #tpu.memory_space<vmem_shared>> -> memref<10320x128xf32, #tpu.memory_space<vmem_shared>>
        tpu.wait_indirect_dma semaphore(%run_scoped3A : memref<!tpu.dma_semaphore, #tpu.memory_space<semaphore_mem>>) src(%arg9 : memref<80x128xf32, #tpu.memory_space<vmem>>) dst(%dma_wait3A_104 : memref<10320x128xf32, #tpu.memory_space<vmem_shared>>)
        tpu.yield
      }) : () -> ()
    }
    %scan3A_19 = arith.constant 125 : i32
    %barrier3A_20 = arith.constant 0 : index
    tpu.barrier barrier_id(%barrier3A_20)
    %scan3A_21 = arith.constant 0 : i32
    %scan3A_22 = arith.constant 5 : i32
    %scan3A_23 = arith.addi %scan3A_21, %scan3A_22 : i32
    %scan3A_24 = arith.constant 1 : i32
    scf.for %scan3A_31 = %scan3A_21 to %scan3A_23 step %scan3A_24  : i32 {
      %mul3A_32 = arith.constant 1 : i32
      %mul3A_33 = arith.muli %scan3A_31, %mul3A_32 : i32
      %add3A_34 = arith.constant 0 : i32
      %add3A_35 = arith.addi %add3A_34, %mul3A_33 : i32
      %mul3A_36 = arith.constant 640 : i32
      %mul3A_37 = arith.muli %arg1, %mul3A_36 : i32
      %mul3A_38 = arith.constant 128 : i32
      %mul3A_39 = arith.muli %add3A_35, %mul3A_38 : i32
      %add3A_40 = arith.addi %mul3A_37, %mul3A_39 : i32
      "tpu.region"() ({
        %run_scoped3A = tpu.sem_alloc : memref<!tpu.dma_semaphore, #tpu.memory_space<semaphore_mem>>
        %dma_start3A = arith.constant 0 : i32
        %dma_start3A_41 = tpu.memref_slice %arg5[%arg0, %add3A_40, %dma_start3A] : memref<2x10320x128xf32, #tpu.memory_space<hbm>> -> memref<1x128x128xf32, #tpu.memory_space<hbm>>
        %dma_start3A_42 = tpu.memref_squeeze %dma_start3A_41 : memref<1x128x128xf32, #tpu.memory_space<hbm>> -> memref<128x128xf32, #tpu.memory_space<hbm>>
        %dma_start3A_43 = arith.constant 0 : i32
        %dma_start3A_44 = tpu.memref_slice %arg11[%add3A_40, %dma_start3A_43] : memref<10320x128xf32, #tpu.memory_space<vmem_shared>> -> memref<128x128xf32, #tpu.memory_space<vmem_shared>>
        tpu.enqueue_dma source(%dma_start3A_44 : memref<128x128xf32, #tpu.memory_space<vmem_shared>>) target(%dma_start3A_42 : memref<128x128xf32, #tpu.memory_space<hbm>>) target_semaphore(%run_scoped3A : memref<!tpu.dma_semaphore, #tpu.memory_space<semaphore_mem>>)
        %dma_wait3A = arith.constant 0 : i32
        %dma_wait3A_45 = tpu.memref_slice %arg5[%arg0, %add3A_40, %dma_wait3A] : memref<2x10320x128xf32, #tpu.memory_space<hbm>> -> memref<1x128x128xf32, #tpu.memory_space<hbm>>
        %dma_wait3A_46 = tpu.memref_squeeze %dma_wait3A_45 : memref<1x128x128xf32, #tpu.memory_space<hbm>> -> memref<128x128xf32, #tpu.memory_space<hbm>>
        %dma_wait3A_47 = arith.constant 0 : i32
        %dma_wait3A_48 = tpu.memref_slice %arg11[%add3A_40, %dma_wait3A_47] : memref<10320x128xf32, #tpu.memory_space<vmem_shared>> -> memref<128x128xf32, #tpu.memory_space<vmem_shared>>
        tpu.wait_dma2 semaphore(%run_scoped3A : memref<!tpu.dma_semaphore, #tpu.memory_space<semaphore_mem>>) src(%dma_wait3A_48 : memref<128x128xf32, #tpu.memory_space<vmem_shared>>) dst(%dma_wait3A_46 : memref<128x128xf32, #tpu.memory_space<hbm>>)
        tpu.yield
      }) : () -> ()
    }
    %scan3A_25 = arith.constant 5 : i32
    %eq3A_26 = arith.constant 0 : i32
    %eq3A_27 = arith.cmpi eq, %arg1, %eq3A_26 : i32
    %convert_element_type3A_28 = arith.extui %eq3A_27 : i1 to i32
    %cond3A_29 = arith.constant 0 : i32
    %cond3A_30 = arith.cmpi ne, %convert_element_type3A_28, %cond3A_29 : i32
    scf.if %cond3A_30 {
      "tpu.region"() ({
        %run_scoped3A = tpu.sem_alloc : memref<!tpu.dma_semaphore, #tpu.memory_space<semaphore_mem>>
        %dma_start3A = arith.constant 10240 : i32
        %dma_start3A_31 = arith.constant 0 : i32
        %dma_start3A_32 = tpu.memref_slice %arg5[%arg0, %dma_start3A, %dma_start3A_31] : memref<2x10320x128xf32, #tpu.memory_space<hbm>> -> memref<1x80x128xf32, #tpu.memory_space<hbm>>
        %dma_start3A_33 = tpu.memref_squeeze %dma_start3A_32 : memref<1x80x128xf32, #tpu.memory_space<hbm>> -> memref<80x128xf32, #tpu.memory_space<hbm>>
        %dma_start3A_34 = arith.constant 10240 : i32
        %dma_start3A_35 = arith.constant 0 : i32
        %dma_start3A_36 = tpu.memref_slice %arg11[%dma_start3A_34, %dma_start3A_35] : memref<10320x128xf32, #tpu.memory_space<vmem_shared>> -> memref<80x128xf32, #tpu.memory_space<vmem_shared>>
        tpu.enqueue_dma source(%dma_start3A_36 : memref<80x128xf32, #tpu.memory_space<vmem_shared>>) target(%dma_start3A_33 : memref<80x128xf32, #tpu.memory_space<hbm>>) target_semaphore(%run_scoped3A : memref<!tpu.dma_semaphore, #tpu.memory_space<semaphore_mem>>)
        %dma_wait3A = arith.constant 10240 : i32
        %dma_wait3A_37 = arith.constant 0 : i32
        %dma_wait3A_38 = tpu.memref_slice %arg5[%arg0, %dma_wait3A, %dma_wait3A_37] : memref<2x10320x128xf32, #tpu.memory_space<hbm>> -> memref<1x80x128xf32, #tpu.memory_space<hbm>>
        %dma_wait3A_39 = tpu.memref_squeeze %dma_wait3A_38 : memref<1x80x128xf32, #tpu.memory_space<hbm>> -> memref<80x128xf32, #tpu.memory_space<hbm>>
        %dma_wait3A_40 = arith.constant 10240 : i32
        %dma_wait3A_41 = arith.constant 0 : i32
        %dma_wait3A_42 = tpu.memref_slice %arg11[%dma_wait3A_40, %dma_wait3A_41] : memref<10320x128xf32, #tpu.memory_space<vmem_shared>> -> memref<80x128xf32, #tpu.memory_space<vmem_shared>>
        tpu.wait_dma2 semaphore(%run_scoped3A : memref<!tpu.dma_semaphore, #tpu.memory_space<semaphore_mem>>) src(%dma_wait3A_42 : memref<80x128xf32, #tpu.memory_space<vmem_shared>>) dst(%dma_wait3A_39 : memref<80x128xf32, #tpu.memory_space<hbm>>)
        tpu.yield
      }) : () -> ()
    } else {
    }
    return
  }
}

module attributes {stable_mosaic.version = 14 : i64} {
  func.func @_tables_body(%arg0: i32, %arg1: memref<2048x128xf32, #tpu.memory_space<vmem>>, %arg2: memref<128x512xf32, #tpu.memory_space<vmem>>, %arg3: memref<2048x128xi32, #tpu.memory_space<vmem>>, %arg4: memref<2048x128xf32, #tpu.memory_space<vmem>>, %arg5: memref<2048x128xf32, #tpu.memory_space<vmem>>) attributes {dimension_semantics = [#tpu.dimension_semantics<arbitrary>], iteration_bounds = array<i64: 5>, scalar_prefetch = 0 : i64, scratch_operands = 0 : i64, tpu.core_type = #tpu.core_type<tc>, window_params = [{transform_indices = @transform_0, window_bounds = array<i64: 2048, 128>}, {pipeline_mode = #tpu.pipeline_mode<synchronous>, transform_indices = @transform_1, window_bounds = array<i64: 128, 512>}, {transform_indices = @transform_2, window_bounds = array<i64: 2048, 128>}, {transform_indices = @transform_3, window_bounds = array<i64: 2048, 128>}, {transform_indices = @transform_4, window_bounds = array<i64: 2048, 128>}]} {
    %get3A = arith.constant 0 : index
    %get3A_0 = arith.constant 0 : index
    %get3A_1 = vector.load %arg1[%get3A, %get3A_0] : memref<2048x128xf32, #tpu.memory_space<vmem>>, vector<2048x128xf32>
    %get3A_2 = arith.constant 0 : index
    %get3A_3 = arith.constant 0 : index
    %get3A_4 = vector.load %arg2[%get3A_2, %get3A_3] : memref<128x512xf32, #tpu.memory_space<vmem>>, vector<128x512xf32>
    %dot_general3A = arith.constant dense<0.000000e+00> : vector<2048x512xf32>
    %dot_general3A_5 = tpu.matmul %get3A_1, %get3A_4, %dot_general3A {dimension_numbers = #tpu.dot_dimension_numbers<[1], [0], [0], [1], [0, 0, 1, 1], [], []>, transpose_lhs_hint = false} : vector<2048x128xf32>, vector<128x512xf32>, vector<2048x512xf32> -> vector<2048x512xf32>
    %slice3A = vector.extract_strided_slice %dot_general3A_5 {offsets = [0, 0], sizes = [2048, 128], strides = [1, 1]} : vector<2048x512xf32> to vector<2048x128xf32>
    %slice3A_6 = vector.extract_strided_slice %dot_general3A_5 {offsets = [0, 128], sizes = [2048, 128], strides = [1, 1]} : vector<2048x512xf32> to vector<2048x128xf32>
    %convert_element_type3A = arith.truncf %slice3A : vector<2048x128xf32> to vector<2048x128xbf16>
    %bitcast_convert_type3A = tpu.bitcast %convert_element_type3A : vector<2048x128xbf16> -> vector<2048x128xi16>
    %convert_element_type3A_7 = arith.truncf %slice3A_6 : vector<2048x128xf32> to vector<2048x128xbf16>
    %bitcast_convert_type3A_8 = tpu.bitcast %convert_element_type3A_7 : vector<2048x128xbf16> -> vector<2048x128xi16>
    %convert_element_type3A_9 = arith.extui %bitcast_convert_type3A : vector<2048x128xi16> to vector<2048x128xi32>
    %shift_left3A = arith.constant 16 : i32
    %shift_left3A_10 = vector.broadcast %shift_left3A : i32 to vector<2048x128xi32>
    %shift_left3A_11 = arith.shli %convert_element_type3A_9, %shift_left3A_10 : vector<2048x128xi32>
    %convert_element_type3A_12 = arith.extui %bitcast_convert_type3A_8 : vector<2048x128xi16> to vector<2048x128xi32>
    %or3A = arith.ori %shift_left3A_11, %convert_element_type3A_12 : vector<2048x128xi32>
    %bitcast_convert_type3A_13 = tpu.bitcast %or3A : vector<2048x128xi32> -> vector<2048x128xi32>
    %swap3A = arith.constant 0 : index
    %swap3A_14 = arith.constant 0 : index
    %swap3A_15 = vector.load %arg3[%swap3A, %swap3A_14] : memref<2048x128xi32, #tpu.memory_space<vmem>>, vector<2048x128xi32>
    tpu.vector_store %arg3[%swap3A, %swap3A_14], %bitcast_convert_type3A_13 {strides = array<i32>} : memref<2048x128xi32, #tpu.memory_space<vmem>>, vector<2048x128xi32>,
    %slice3A_16 = vector.extract_strided_slice %dot_general3A_5 {offsets = [0, 256], sizes = [2048, 128], strides = [1, 1]} : vector<2048x512xf32> to vector<2048x128xf32>
    %swap3A_17 = arith.constant 0 : index
    %swap3A_18 = arith.constant 0 : index
    %swap3A_19 = vector.load %arg4[%swap3A_17, %swap3A_18] : memref<2048x128xf32, #tpu.memory_space<vmem>>, vector<2048x128xf32>
    tpu.vector_store %arg4[%swap3A_17, %swap3A_18], %slice3A_16 {strides = array<i32>} : memref<2048x128xf32, #tpu.memory_space<vmem>>, vector<2048x128xf32>,
    %slice3A_20 = vector.extract_strided_slice %dot_general3A_5 {offsets = [0, 384], sizes = [2048, 128], strides = [1, 1]} : vector<2048x512xf32> to vector<2048x128xf32>
    %swap3A_21 = arith.constant 0 : index
    %swap3A_22 = arith.constant 0 : index
    %swap3A_23 = vector.load %arg5[%swap3A_21, %swap3A_22] : memref<2048x128xf32, #tpu.memory_space<vmem>>, vector<2048x128xf32>
    tpu.vector_store %arg5[%swap3A_21, %swap3A_22], %slice3A_20 {strides = array<i32>} : memref<2048x128xf32, #tpu.memory_space<vmem>>, vector<2048x128xf32>,
    return
  }
  func.func @transform_0(%arg0: i32) -> (i32, i32) {
    %c0_i32 = arith.constant 0 : i32
    %c0_i32_0 = arith.constant 0 : i32
    return %arg0, %c0_i32 : i32, i32
  }
  func.func @transform_1(%arg0: i32) -> (i32, i32) {
    %c0_i32 = arith.constant 0 : i32
    %c0_i32_0 = arith.constant 0 : i32
    %c0_i32_1 = arith.constant 0 : i32
    return %c0_i32, %c0_i32_0 : i32, i32
  }
  func.func @transform_2(%arg0: i32) -> (i32, i32) {
    %c0_i32 = arith.constant 0 : i32
    %c0_i32_0 = arith.constant 0 : i32
    return %arg0, %c0_i32 : i32, i32
  }
  func.func @transform_3(%arg0: i32) -> (i32, i32) {
    %c0_i32 = arith.constant 0 : i32
    %c0_i32_0 = arith.constant 0 : i32
    return %arg0, %c0_i32 : i32, i32
  }
  func.func @transform_4(%arg0: i32) -> (i32, i32) {
    %c0_i32 = arith.constant 0 : i32
    %c0_i32_0 = arith.constant 0 : i32
    return %arg0, %c0_i32 : i32, i32
  }
}

module attributes {stable_mosaic.version = 14 : i64} {
  func.func @_edge_body(%arg0: i32, %arg1: memref<2560x128xi32, #tpu.memory_space<vmem>>, %arg2: memref<2560x128xf32, #tpu.memory_space<vmem>>, %arg3: memref<2560x16xf32, #tpu.memory_space<vmem>>, %arg4: memref<2560x1xi32, #tpu.memory_space<vmem>>, %arg5: memref<16x128xf32, #tpu.memory_space<vmem>>, %arg6: memref<16x128xf32, #tpu.memory_space<vmem>>, %arg7: memref<1x128xf32, #tpu.memory_space<vmem>>, %arg8: memref<1x128xf32, #tpu.memory_space<vmem>>, %arg9: memref<1x128xf32, #tpu.memory_space<vmem>>, %arg10: memref<1x128xf32, #tpu.memory_space<vmem>>, %arg11: memref<1x1xf32, #tpu.memory_space<vmem>>, %arg12: memref<2560x128xf32, #tpu.memory_space<vmem>>, %arg13: memref<2560x128xf32, #tpu.memory_space<vmem>>) attributes {dimension_semantics = [#tpu.dimension_semantics<arbitrary>], iteration_bounds = array<i64: 125>, scalar_prefetch = 0 : i64, scratch_operands = 0 : i64, tpu.core_type = #tpu.core_type<tc>, window_params = [{transform_indices = @transform_0, window_bounds = array<i64: 2560, 128>}, {transform_indices = @transform_1, window_bounds = array<i64: 2560, 128>}, {transform_indices = @transform_2, window_bounds = array<i64: 2560, 16>}, {transform_indices = @transform_3, window_bounds = array<i64: 2560, 1>}, {pipeline_mode = #tpu.pipeline_mode<synchronous>, transform_indices = @transform_4, window_bounds = array<i64: 16, 128>}, {pipeline_mode = #tpu.pipeline_mode<synchronous>, transform_indices = @transform_5, window_bounds = array<i64: 16, 128>}, {pipeline_mode = #tpu.pipeline_mode<synchronous>, transform_indices = @transform_6, window_bounds = array<i64: 1, 128>}, {pipeline_mode = #tpu.pipeline_mode<synchronous>, transform_indices = @transform_7, window_bounds = array<i64: 1, 128>}, {pipeline_mode = #tpu.pipeline_mode<synchronous>, transform_indices = @transform_8, window_bounds = array<i64: 1, 128>}, {pipeline_mode = #tpu.pipeline_mode<synchronous>, transform_indices = @transform_9, window_bounds = array<i64: 1, 128>}, {pipeline_mode = #tpu.pipeline_mode<synchronous>, transform_indices = @transform_10, window_bounds = array<i64: 1, 1>}, {transform_indices = @transform_11, window_bounds = array<i64: 2560, 128>}, {transform_indices = @transform_12, window_bounds = array<i64: 2560, 128>}]} {
    %get3A = arith.constant 0 : index
    %get3A_0 = arith.constant 0 : index
    %get3A_1 = vector.load %arg1[%get3A, %get3A_0] : memref<2560x128xi32, #tpu.memory_space<vmem>>, vector<2560x128xi32>
    %get3A_2 = arith.constant 0 : index
    %get3A_3 = arith.constant 0 : index
    %get3A_4 = vector.load %arg3[%get3A_2, %get3A_3] : memref<2560x16xf32, #tpu.memory_space<vmem>>, vector<2560x16xf32>
    %get3A_5 = arith.constant 0 : index
    %get3A_6 = arith.constant 0 : index
    %get3A_7 = vector.load %arg5[%get3A_5, %get3A_6] : memref<16x128xf32, #tpu.memory_space<vmem>>, vector<16x128xf32>
    %dot_general3A = arith.constant dense<0.000000e+00> : vector<2560x128xf32>
    %dot_general3A_8 = tpu.matmul %get3A_4, %get3A_7, %dot_general3A {dimension_numbers = #tpu.dot_dimension_numbers<[1], [0], [0], [1], [0, 0, 1, 1], [], []>, transpose_lhs_hint = false} : vector<2560x16xf32>, vector<16x128xf32>, vector<2560x128xf32> -> vector<2560x128xf32>
    %get3A_9 = arith.constant 0 : index
    %get3A_10 = arith.constant 0 : index
    %get3A_11 = vector.load %arg3[%get3A_9, %get3A_10] : memref<2560x16xf32, #tpu.memory_space<vmem>>, vector<2560x16xf32>
    %get3A_12 = arith.constant 0 : index
    %get3A_13 = arith.constant 0 : index
    %get3A_14 = vector.load %arg6[%get3A_12, %get3A_13] : memref<16x128xf32, #tpu.memory_space<vmem>>, vector<16x128xf32>
    %dot_general3A_15 = arith.constant dense<0.000000e+00> : vector<2560x128xf32>
    %dot_general3A_16 = tpu.matmul %get3A_11, %get3A_14, %dot_general3A_15 {dimension_numbers = #tpu.dot_dimension_numbers<[1], [0], [0], [1], [0, 0, 1, 1], [], []>, transpose_lhs_hint = false} : vector<2560x16xf32>, vector<16x128xf32>, vector<2560x128xf32> -> vector<2560x128xf32>
    %bitcast_convert_type3A = tpu.bitcast %get3A_1 : vector<2560x128xi32> -> vector<2560x128xi32>
    %and3A = arith.constant -65536 : i32
    %and3A_17 = vector.broadcast %and3A : i32 to vector<2560x128xi32>
    %and3A_18 = arith.andi %bitcast_convert_type3A, %and3A_17 : vector<2560x128xi32>
    %bitcast_convert_type3A_19 = tpu.bitcast %and3A_18 : vector<2560x128xi32> -> vector<2560x128xf32>
    %add3A = arith.addf %bitcast_convert_type3A_19, %dot_general3A_8 : vector<2560x128xf32>
    %bitcast_convert_type3A_20 = tpu.bitcast %get3A_1 : vector<2560x128xi32> -> vector<2560x128xi32>
    %shift_left3A = arith.constant 16 : i32
    %shift_left3A_21 = vector.broadcast %shift_left3A : i32 to vector<2560x128xi32>
    %shift_left3A_22 = arith.shli %bitcast_convert_type3A_20, %shift_left3A_21 : vector<2560x128xi32>
    %bitcast_convert_type3A_23 = tpu.bitcast %shift_left3A_22 : vector<2560x128xi32> -> vector<2560x128xf32>
    %get3A_24 = arith.constant 0 : index
    %get3A_25 = arith.constant 0 : index
    %get3A_26 = vector.load %arg2[%get3A_24, %get3A_25] : memref<2560x128xf32, #tpu.memory_space<vmem>>, vector<2560x128xf32>
    %add3A_27 = arith.addf %bitcast_convert_type3A_23, %get3A_26 : vector<2560x128xf32>
    %add3A_28 = arith.addf %add3A_27, %dot_general3A_16 : vector<2560x128xf32>
    %get3A_29 = arith.constant 0 : index
    %get3A_30 = arith.constant 0 : index
    %get3A_31 = vector.load %arg7[%get3A_29, %get3A_30] : memref<1x128xf32, #tpu.memory_space<vmem>>, vector<1x128xf32>
    %add3A_32 = vector.broadcast %get3A_31 : vector<1x128xf32> to vector<2560x128xf32>
    %add3A_33 = arith.addf %add3A_28, %add3A_32 : vector<2560x128xf32>
    %max3A = arith.constant 0.000000e+00 : f32
    %max3A_34 = vector.broadcast %max3A : f32 to vector<2560x128xf32>
    %max3A_35 = arith.maximumf %add3A_33, %max3A_34 : vector<2560x128xf32>
    %reduce_sum3A = arith.constant dense<0.000000e+00> : vector<2560xf32>
    %reduce_sum3A_36 = vector.multi_reduction <add>, %max3A_35, %reduce_sum3A [1] : vector<2560x128xf32> to vector<2560xf32>
    %broadcast_in_dim3A = vector.shape_cast %reduce_sum3A_36 : vector<2560xf32> to vector<2560x1xf32>
    %div3A = arith.constant 1.280000e+02 : f32
    %div3A_37 = vector.broadcast %div3A : f32 to vector<2560x1xf32>
    %div3A_38 = arith.divf %broadcast_in_dim3A, %div3A_37 : vector<2560x1xf32>
    %sub3A = vector.broadcast %div3A_38 : vector<2560x1xf32> to vector<2560x128xf32>
    %sub3A_39 = arith.subf %max3A_35, %sub3A : vector<2560x128xf32>
    %sub3A_40 = vector.broadcast %div3A_38 : vector<2560x1xf32> to vector<2560x128xf32>
    %sub3A_41 = arith.subf %max3A_35, %sub3A_40 : vector<2560x128xf32>
    %mul3A = arith.mulf %sub3A_39, %sub3A_41 : vector<2560x128xf32>
    %reduce_sum3A_42 = arith.constant dense<0.000000e+00> : vector<2560xf32>
    %reduce_sum3A_43 = vector.multi_reduction <add>, %mul3A, %reduce_sum3A_42 [1] : vector<2560x128xf32> to vector<2560xf32>
    %broadcast_in_dim3A_44 = vector.shape_cast %reduce_sum3A_43 : vector<2560xf32> to vector<2560x1xf32>
    %div3A_45 = arith.constant 1.280000e+02 : f32
    %div3A_46 = vector.broadcast %div3A_45 : f32 to vector<2560x1xf32>
    %div3A_47 = arith.divf %broadcast_in_dim3A_44, %div3A_46 : vector<2560x1xf32>
    %sub3A_48 = vector.broadcast %div3A_38 : vector<2560x1xf32> to vector<2560x128xf32>
    %sub3A_49 = arith.subf %max3A_35, %sub3A_48 : vector<2560x128xf32>
    %add3A_50 = arith.constant 9.99999974E-6 : f32
    %add3A_51 = vector.broadcast %add3A_50 : f32 to vector<2560x1xf32>
    %add3A_52 = arith.addf %div3A_47, %add3A_51 : vector<2560x1xf32>
    %sqrt3A = math.sqrt %add3A_52 : vector<2560x1xf32>
    %div3A_53 = vector.broadcast %sqrt3A : vector<2560x1xf32> to vector<2560x128xf32>
    %div3A_54 = arith.divf %sub3A_49, %div3A_53 : vector<2560x128xf32>
    %get3A_55 = arith.constant 0 : index
    %get3A_56 = arith.constant 0 : index
    %get3A_57 = vector.load %arg8[%get3A_55, %get3A_56] : memref<1x128xf32, #tpu.memory_space<vmem>>, vector<1x128xf32>
    %mul3A_58 = vector.broadcast %get3A_57 : vector<1x128xf32> to vector<2560x128xf32>
    %mul3A_59 = arith.mulf %div3A_54, %mul3A_58 : vector<2560x128xf32>
    %get3A_60 = arith.constant 0 : index
    %get3A_61 = arith.constant 0 : index
    %get3A_62 = vector.load %arg9[%get3A_60, %get3A_61] : memref<1x128xf32, #tpu.memory_space<vmem>>, vector<1x128xf32>
    %add3A_63 = vector.broadcast %get3A_62 : vector<1x128xf32> to vector<2560x128xf32>
    %add3A_64 = arith.addf %mul3A_59, %add3A_63 : vector<2560x128xf32>
    %get3A_65 = arith.constant 0 : index
    %get3A_66 = arith.constant 0 : index
    %get3A_67 = vector.load %arg10[%get3A_65, %get3A_66] : memref<1x128xf32, #tpu.memory_space<vmem>>, vector<1x128xf32>
    %mul3A_68 = vector.broadcast %get3A_67 : vector<1x128xf32> to vector<2560x128xf32>
    %mul3A_69 = arith.mulf %add3A_64, %mul3A_68 : vector<2560x128xf32>
    %reduce_sum3A_70 = arith.constant dense<0.000000e+00> : vector<2560xf32>
    %reduce_sum3A_71 = vector.multi_reduction <add>, %mul3A_69, %reduce_sum3A_70 [1] : vector<2560x128xf32> to vector<2560xf32>
    %broadcast_in_dim3A_72 = vector.shape_cast %reduce_sum3A_71 : vector<2560xf32> to vector<2560x1xf32>
    %get3A_73 = arith.constant 0 : index
    %get3A_74 = arith.constant 0 : index
    %get3A_75 = vector.load %arg11[%get3A_73, %get3A_74] : memref<1x1xf32, #tpu.memory_space<vmem>>, vector<1x1xf32>
    %add3A_76 = vector.broadcast %get3A_75 : vector<1x1xf32> to vector<2560x1xf32>
    %add3A_77 = arith.addf %broadcast_in_dim3A_72, %add3A_76 : vector<2560x1xf32>
    %max3A_78 = arith.constant 0.000000e+00 : f32
    %max3A_79 = vector.broadcast %max3A_78 : f32 to vector<2560x1xf32>
    %max3A_80 = arith.maximumf %add3A_77, %max3A_79 : vector<2560x1xf32>
    %exp3A = math.exp %max3A_80 : vector<2560x1xf32>
    %iota3A = tpu.iota {dimensions = array<i32: 1>} : vector<1x128xi32>
    %get3A_81 = arith.constant 0 : index
    %get3A_82 = arith.constant 0 : index
    %get3A_83 = vector.load %arg4[%get3A_81, %get3A_82] : memref<2560x1xi32, #tpu.memory_space<vmem>>, vector<2560x1xi32>
    %jit3A = arith.constant 128 : i32
    %eq3A = arith.constant 0 : i32
    %eq3A_84 = arith.cmpi eq, %jit3A, %eq3A : i32
    %jit3A_85 = arith.constant 1 : i32
    %select_n3A = arith.select %eq3A_84, %jit3A_85, %jit3A : i32
    %rem3A = vector.broadcast %select_n3A : i32 to vector<2560x1xi32>
    %rem3A_86 = arith.remsi %get3A_83, %rem3A : vector<2560x1xi32>
    %ne3A = arith.constant 0 : i32
    %ne3A_87 = vector.broadcast %ne3A : i32 to vector<2560x1xi32>
    %ne3A_88 = arith.cmpi ne, %rem3A_86, %ne3A_87 : vector<2560x1xi32>
    %lt3A = arith.constant 0 : i32
    %lt3A_89 = vector.broadcast %lt3A : i32 to vector<2560x1xi32>
    %lt3A_90 = arith.cmpi slt, %rem3A_86, %lt3A_89 : vector<2560x1xi32>
    %lt3A_91 = arith.constant 0 : i32
    %lt3A_92 = arith.cmpi slt, %select_n3A, %lt3A_91 : i32
    %ne3A_93 = vector.broadcast %lt3A_92 : i1 to vector<2560x1xi1>
    %ne3A_94 = vector.broadcast %ne3A_93 : vector<2560x1xi1> to vector<2560x1xi1>
    %ne3A_95 = arith.xori %lt3A_90, %ne3A_94 : vector<2560x1xi1>
    %and3A_96 = arith.andi %ne3A_95, %ne3A_88 : vector<2560x1xi1>
    %add3A_97 = vector.broadcast %select_n3A : i32 to vector<2560x1xi32>
    %add3A_98 = arith.addi %rem3A_86, %add3A_97 : vector<2560x1xi32>
    %select_n3A_99 = arith.select %and3A_96, %add3A_98, %rem3A_86 : vector<2560x1xi1>, vector<2560x1xi32>
    %eq3A_100 = vector.broadcast %iota3A : vector<1x128xi32> to vector<2560x128xi32>
    %eq3A_101 = vector.broadcast %select_n3A_99 : vector<2560x1xi32> to vector<2560x128xi32>
    %eq3A_102 = arith.cmpi eq, %eq3A_100, %eq3A_101 : vector<2560x128xi32>
    %convert_element_type3A = arith.extui %eq3A_102 : vector<2560x128xi1> to vector<2560x128xi32>
    %convert_element_type3A_103 = arith.sitofp %convert_element_type3A : vector<2560x128xi32> to vector<2560x128xf32>
    %mul3A_104 = vector.broadcast %exp3A : vector<2560x1xf32> to vector<2560x128xf32>
    %mul3A_105 = arith.mulf %add3A, %mul3A_104 : vector<2560x128xf32>
    %swap3A = arith.constant 0 : index
    %swap3A_106 = arith.constant 0 : index
    %swap3A_107 = vector.load %arg12[%swap3A, %swap3A_106] : memref<2560x128xf32, #tpu.memory_space<vmem>>, vector<2560x128xf32>
    tpu.vector_store %arg12[%swap3A, %swap3A_106], %mul3A_105 {strides = array<i32>} : memref<2560x128xf32, #tpu.memory_space<vmem>>, vector<2560x128xf32>,
    %mul3A_108 = vector.broadcast %exp3A : vector<2560x1xf32> to vector<2560x128xf32>
    %mul3A_109 = arith.mulf %mul3A_108, %convert_element_type3A_103 : vector<2560x128xf32>
    %swap3A_110 = arith.constant 0 : index
    %swap3A_111 = arith.constant 0 : index
    %swap3A_112 = vector.load %arg13[%swap3A_110, %swap3A_111] : memref<2560x128xf32, #tpu.memory_space<vmem>>, vector<2560x128xf32>
    tpu.vector_store %arg13[%swap3A_110, %swap3A_111], %mul3A_109 {strides = array<i32>} : memref<2560x128xf32, #tpu.memory_space<vmem>>, vector<2560x128xf32>,
    return
  }
  func.func @transform_0(%arg0: i32) -> (i32, i32) {
    %c0_i32 = arith.constant 0 : i32
    %c0_i32_0 = arith.constant 0 : i32
    return %arg0, %c0_i32 : i32, i32
  }
  func.func @transform_1(%arg0: i32) -> (i32, i32) {
    %c0_i32 = arith.constant 0 : i32
    %c0_i32_0 = arith.constant 0 : i32
    return %arg0, %c0_i32 : i32, i32
  }
  func.func @transform_2(%arg0: i32) -> (i32, i32) {
    %c0_i32 = arith.constant 0 : i32
    %c0_i32_0 = arith.constant 0 : i32
    return %arg0, %c0_i32 : i32, i32
  }
  func.func @transform_3(%arg0: i32) -> (i32, i32) {
    %c0_i32 = arith.constant 0 : i32
    %c0_i32_0 = arith.constant 0 : i32
    return %arg0, %c0_i32 : i32, i32
  }
  func.func @transform_4(%arg0: i32) -> (i32, i32) {
    %c0_i32 = arith.constant 0 : i32
    %c0_i32_0 = arith.constant 0 : i32
    %c0_i32_1 = arith.constant 0 : i32
    return %c0_i32, %c0_i32_0 : i32, i32
  }
  func.func @transform_5(%arg0: i32) -> (i32, i32) {
    %c0_i32 = arith.constant 0 : i32
    %c0_i32_0 = arith.constant 0 : i32
    %c0_i32_1 = arith.constant 0 : i32
    return %c0_i32, %c0_i32_0 : i32, i32
  }
  func.func @transform_6(%arg0: i32) -> (i32, i32) {
    %c0_i32 = arith.constant 0 : i32
    %c0_i32_0 = arith.constant 0 : i32
    %c0_i32_1 = arith.constant 0 : i32
    return %c0_i32, %c0_i32_0 : i32, i32
  }
  func.func @transform_7(%arg0: i32) -> (i32, i32) {
    %c0_i32 = arith.constant 0 : i32
    %c0_i32_0 = arith.constant 0 : i32
    %c0_i32_1 = arith.constant 0 : i32
    return %c0_i32, %c0_i32_0 : i32, i32
  }
  func.func @transform_8(%arg0: i32) -> (i32, i32) {
    %c0_i32 = arith.constant 0 : i32
    %c0_i32_0 = arith.constant 0 : i32
    %c0_i32_1 = arith.constant 0 : i32
    return %c0_i32, %c0_i32_0 : i32, i32
  }
  func.func @transform_9(%arg0: i32) -> (i32, i32) {
    %c0_i32 = arith.constant 0 : i32
    %c0_i32_0 = arith.constant 0 : i32
    %c0_i32_1 = arith.constant 0 : i32
    return %c0_i32, %c0_i32_0 : i32, i32
  }
  func.func @transform_10(%arg0: i32) -> (i32, i32) {
    %c0_i32 = arith.constant 0 : i32
    %c0_i32_0 = arith.constant 0 : i32
    %c0_i32_1 = arith.constant 0 : i32
    return %c0_i32, %c0_i32_0 : i32, i32
  }
  func.func @transform_11(%arg0: i32) -> (i32, i32) {
    %c0_i32 = arith.constant 0 : i32
    %c0_i32_0 = arith.constant 0 : i32
    return %arg0, %c0_i32 : i32, i32
  }
  func.func @transform_12(%arg0: i32) -> (i32, i32) {
    %c0_i32 = arith.constant 0 : i32
    %c0_i32_0 = arith.constant 0 : i32
    return %arg0, %c0_i32 : i32, i32
  }
}

module attributes {stable_mosaic.version = 14 : i64} {
  func.func @_final_body(%arg0: i32, %arg1: memref<2x2048x128xf32, #tpu.memory_space<vmem>>, %arg2: memref<2048x1xf32, #tpu.memory_space<vmem>>, %arg3: memref<2048x128xf32, #tpu.memory_space<vmem>>, %arg4: memref<1x128xf32, #tpu.memory_space<vmem>>, %arg5: memref<2048x128xf32, #tpu.memory_space<vmem>>) attributes {dimension_semantics = [#tpu.dimension_semantics<arbitrary>], iteration_bounds = array<i64: 5>, scalar_prefetch = 0 : i64, scratch_operands = 0 : i64, tpu.core_type = #tpu.core_type<tc>, window_params = [{transform_indices = @transform_0, window_bounds = array<i64: 2, 2048, 128>}, {transform_indices = @transform_1, window_bounds = array<i64: 2048, 1>}, {transform_indices = @transform_2, window_bounds = array<i64: 2048, 128>}, {pipeline_mode = #tpu.pipeline_mode<synchronous>, transform_indices = @transform_3, window_bounds = array<i64: 1, 128>}, {transform_indices = @transform_4, window_bounds = array<i64: 2048, 128>}]} {
    %get3A = arith.constant 0 : index
    %get3A_0 = arith.constant 0 : index
    %get3A_1 = arith.constant 0 : index
    %get3A_2 = vector.load %arg1[%get3A, %get3A_0, %get3A_1] : memref<2x2048x128xf32, #tpu.memory_space<vmem>>, vector<1x2048x128xf32>
    %get3A_3 = vector.shape_cast %get3A_2 : vector<1x2048x128xf32> to vector<2048x128xf32>
    %get3A_4 = arith.constant 1 : index
    %get3A_5 = arith.constant 0 : index
    %get3A_6 = arith.constant 0 : index
    %get3A_7 = vector.load %arg1[%get3A_4, %get3A_5, %get3A_6] : memref<2x2048x128xf32, #tpu.memory_space<vmem>>, vector<1x2048x128xf32>
    %get3A_8 = vector.shape_cast %get3A_7 : vector<1x2048x128xf32> to vector<2048x128xf32>
    %add3A = arith.addf %get3A_3, %get3A_8 : vector<2048x128xf32>
    %get3A_9 = arith.constant 0 : index
    %get3A_10 = arith.constant 0 : index
    %get3A_11 = vector.load %arg2[%get3A_9, %get3A_10] : memref<2048x1xf32, #tpu.memory_space<vmem>>, vector<2048x1xf32>
    %get3A_12 = arith.constant 0 : index
    %get3A_13 = arith.constant 0 : index
    %get3A_14 = vector.load %arg3[%get3A_12, %get3A_13] : memref<2048x128xf32, #tpu.memory_space<vmem>>, vector<2048x128xf32>
    %get3A_15 = arith.constant 0 : index
    %get3A_16 = arith.constant 0 : index
    %get3A_17 = vector.load %arg4[%get3A_15, %get3A_16] : memref<1x128xf32, #tpu.memory_space<vmem>>, vector<1x128xf32>
    %add3A_18 = vector.broadcast %get3A_17 : vector<1x128xf32> to vector<2048x128xf32>
    %add3A_19 = arith.addf %get3A_14, %add3A_18 : vector<2048x128xf32>
    %mul3A = vector.broadcast %get3A_11 : vector<2048x1xf32> to vector<2048x128xf32>
    %mul3A_20 = arith.mulf %mul3A, %add3A_19 : vector<2048x128xf32>
    %add3A_21 = arith.addf %add3A, %mul3A_20 : vector<2048x128xf32>
    %add3A_22 = arith.constant 1.000000e-10 : f32
    %add3A_23 = vector.broadcast %add3A_22 : f32 to vector<2048x1xf32>
    %add3A_24 = arith.addf %get3A_11, %add3A_23 : vector<2048x1xf32>
    %div3A = vector.broadcast %add3A_24 : vector<2048x1xf32> to vector<2048x128xf32>
    %div3A_25 = arith.divf %add3A_21, %div3A : vector<2048x128xf32>
    %ge3A = arith.constant 0.000000e+00 : f32
    %ge3A_26 = vector.broadcast %ge3A : f32 to vector<2048x128xf32>
    %ge3A_27 = arith.cmpf oge, %div3A_25, %ge3A_26 : vector<2048x128xf32>
    %mul3A_28 = arith.constant 0.00999999977 : f32
    %mul3A_29 = vector.broadcast %mul3A_28 : f32 to vector<2048x128xf32>
    %mul3A_30 = arith.mulf %mul3A_29, %div3A_25 : vector<2048x128xf32>
    %select_n3A = arith.select %ge3A_27, %div3A_25, %mul3A_30 : vector<2048x128xi1>, vector<2048x128xf32>
    %swap3A = arith.constant 0 : index
    %swap3A_31 = arith.constant 0 : index
    %swap3A_32 = vector.load %arg5[%swap3A, %swap3A_31] : memref<2048x128xf32, #tpu.memory_space<vmem>>, vector<2048x128xf32>
    tpu.vector_store %arg5[%swap3A, %swap3A_31], %select_n3A {strides = array<i32>} : memref<2048x128xf32, #tpu.memory_space<vmem>>, vector<2048x128xf32>,
    return
  }
  func.func @transform_0(%arg0: i32) -> (i32, i32, i32) {
    %c0_i32 = arith.constant 0 : i32
    %c0_i32_0 = arith.constant 0 : i32
    %c0_i32_1 = arith.constant 0 : i32
    return %c0_i32, %arg0, %c0_i32_0 : i32, i32, i32
  }
  func.func @transform_1(%arg0: i32) -> (i32, i32) {
    %c0_i32 = arith.constant 0 : i32
    %c0_i32_0 = arith.constant 0 : i32
    return %arg0, %c0_i32 : i32, i32
  }
  func.func @transform_2(%arg0: i32) -> (i32, i32) {
    %c0_i32 = arith.constant 0 : i32
    %c0_i32_0 = arith.constant 0 : i32
    return %arg0, %c0_i32 : i32, i32
  }
  func.func @transform_3(%arg0: i32) -> (i32, i32) {
    %c0_i32 = arith.constant 0 : i32
    %c0_i32_0 = arith.constant 0 : i32
    %c0_i32_1 = arith.constant 0 : i32
    return %c0_i32, %c0_i32_0 : i32, i32
  }
  func.func @transform_4(%arg0: i32) -> (i32, i32) {
    %c0_i32 = arith.constant 0 : i32
    %c0_i32_0 = arith.constant 0 : i32
    return %arg0, %c0_i32 : i32, i32
  }
}

</mosaic_0001>

<sc_bundles>
// kernel: kernel.10.cloned.1.call-start
scs
__scs_entry_jumppad:
0x0: {  	(pc) =	sbr.rel $0x88, $3  }
0x1: {  	(tag) =	ssettag $0x0;
	lr =	simm.s32 $0x1  }
0x2: {  	[smem:$0x3F96] =	sst lr;
	_ =	strace $0xD0000000  }
0x3: {  	_ = 	snop  }
0x4: {  	_ = 	snop  }
0x5: {  	_ = 	snop  }
0x6: {  	_ = 	snop  }
0x7: {  	_ = 	snop  }
__scs_overlays_trampoline_lowered:
0x8: {  	[smem:$0x3FA5] =	sst s0  }
0x9: {  	[smem:$0x3FA6] =	sst s1  }
0xa: {  	[smem:$0x3FA7] =	sst s2  }
0xb: {  	[smem:$0x3FA8] =	sst s3  }
0xc: {  	[smem:$0x3FA9] =	sst s4  }
0xd: {  	[smem:$0x3FAA] =	sst s5  }
0xe: {  	[smem:$0x3FAB] =	sst s6  }
0xf: {  	[smem:$0x3FAC] =	sst s7  }
0x10: {  	[smem:$0x3FAD] =	sst s8  }
0x11: {  	[smem:$0x3FAE] =	sst s9;
	s0 =	simm.s32 @!p0 $0x0  }
0x12: {  	s1 =	sld [smem:$0x3F94];
	s0 =	simm.s32 @p0 $0x1  }
0x13: {  	[smem:$0x3FAF] =	sst s0;
	s0 =	simm.s32 @!p1 $0x0  }
0x14: {  	s2 =	sld [smem:$0x3F93];
	s0 =	simm.s32 @p1 $0x1  }
0x15: {  	[smem:$0x3FB0] =	sst s0;
	s0 =	simm.s32 @!p2 $0x0  }
0x16: {  	s3 =	sld [smem:$0x3FDB];
	s0 =	simm.s32 @p2 $0x1  }
0x17: {  	s4 =	simm.s32 $0x1BF5;
	[smem:$0x3FB2] =	sst s0  }
0x18: {  	s0 =	sld [smem:$0x3F95];
	_ =	swait.ge [sflag:s4], $0x0  }
0x19: {  	s7 =	sld [smem:$0x3F96]  }
0x1a: {  	s8 =	sadd.s32 $0xFFFFE003, lr  }
0x1b: {  	s9 =	sadd.s32 $0xFFFFFEF7, lr;
	s5 =	simm.s32 $0xFFFFFFFF;
	p2 =	slt.u32 s8, $0xFFFFF086  }
0x1c: {  	p1 =	slt.u32 s9, $0xF7A;
	s5 =	simm.s32 @!p2 $0x0  }
0x1d: {  	s5 =	simm.s32 @p1 $0x1;
	p0 =	seq.s32 s7, s2  }
0x1e: {  	s7 =	smul.u32 @!p0 $0xF7A, s2;
	p2 =	seq.s32 @!p0 s5, $0x0  }
0x1f: {  	s9 =	smul.u32 $0xF7A, s1;
	s8 =	simm.s32 @!p0 $0x1BF5;
	p2 =	por !p2, p0  }
0x20: {  	[sflag:s8] =	ssyncset.s32 @!p0 $0xFFFFF086;
	s6 =	sadd.s32 @!p0 s3, s7;
	s7 =	simm.s32 @!p0 $0x108  }
0x21: {  	s3 =	sadd.s32 s3, s9;
	s6 =	sadd.s32 @!p0 $0x88, s6;
	s7 =	simm.s32 @p2 $0x1082  }
0x22: {  	[simem:s7], [sflag:s8] =	dma.local @!p0 [hbm:s6], $0xF7A  }
0x23: {  	s9 =	sor.u32 $0xD0000000, s2;
	s6 =	simm.s32 $0x108;
	_ =	swait.ge @!p0 [sflag:s8], $0x0  }
0x24: {  	s3 =	sadd.s32 $0x88, s3;
	s6 =	simm.s32 @!p1 $0x1082;
	[sflag:s4] =	ssyncset.s32 $0xFFFFF086  }
0x25: {  	[simem:s6], [sflag:s4] =	dma.local [hbm:s3], $0xF7A  }
0x26: {  	[smem:$0x3F96] =	sst s1;
	(tag) =	ssettag s2;
	_ =	strace s9  }
0x27: {  	s1 =	sld [smem:$0x3FA6]  }
0x28: {  	s2 =	sld [smem:$0x3FA7]  }
0x29: {  	s4 =	sld [smem:$0x3FA9]  }
0x2a: {  	p0 =	seq.s32 s5, $0x0;
	s5 =	sld [smem:$0x3FAA]  }
0x2b: {  	s6 =	sld [smem:$0x3FAB]  }
0x2c: {  	s7 =	sld [smem:$0x3FAC]  }
0x2d: {  	s3 =	simm.s32 $0x108;
	s8 =	sld [smem:$0x3FAD]  }
0x2e: {  	s3 =	simm.s32 @!p0 $0x1082;
	s9 =	sld [smem:$0x3FAE]  }
0x2f: {  	lr =	sadd.s32 s0, s3;
	s0 =	sld [smem:$0x3FA5]  }
0x30: {  	s3 =	sld [smem:$0x3FA8]  }
0x31: {  	[smem:$0x3FB1] =	sst s10  }
0x32: {  	s10 =	sld [smem:$0x3FAF];
	_ =	sdelay $0x3  }
0x33: {  	p0 =	seq.s32 s10, $0x1;
	s10 =	sld [smem:$0x3FB1];
	_ =	sdelay $0x3  }
0x34: {  	[smem:$0x3FB1] =	sst s10  }
0x35: {  	s10 =	sld [smem:$0x3FB0];
	_ =	sdelay $0x3  }
0x36: {  	p1 =	seq.s32 s10, $0x1;
	s10 =	sld [smem:$0x3FB1];
	_ =	sdelay $0x3  }
0x37: {  	[smem:$0x3FB1] =	sst s10  }
0x38: {  	s10 =	sld [smem:$0x3FB2]  }
0x39: {  	_ = 	snop;
	(pc) =	sbr.ind lr, $3  }
0x3a: {  	_ = 	snop  }
0x3b: {  	_ = 	snop  }
0x3c: {  	p2 =	seq.s32 s10, $0x1;
	s10 =	sld [smem:$0x3FB1]  }
0x3d: {  	_ =	shalt  }
0x3e: {  	_ =	shalt  }
0x3f: {  	_ =	shalt  }
0x40: {  	_ =	shalt  }
0x41: {  	_ =	shalt  }
0x42: {  	_ =	shalt  }
0x43: {  	_ =	shalt  }
0x44: {  	_ =	shalt  }
0x45: {  	_ =	shalt  }
0x46: {  	_ =	shalt  }
0x47: {  	_ =	shalt  }
0x48: {  	_ =	shalt  }
0x49: {  	_ =	shalt  }
0x4a: {  	_ =	shalt  }
0x4b: {  	_ =	shalt  }
0x4c: {  	_ =	shalt  }
0x4d: {  	_ =	shalt  }
0x4e: {  	_ =	shalt  }
0x4f: {  	_ =	shalt  }
0x50: {  	_ =	shalt  }
0x51: {  	_ =	shalt  }
0x52: {  	_ =	shalt  }
0x53: {  	_ =	shalt  }
0x54: {  	_ =	shalt  }
0x55: {  	_ =	shalt  }
0x56: {  	_ =	shalt  }
0x57: {  	_ =	shalt  }
0x58: {  	_ =	shalt  }
0x59: {  	_ =	shalt  }
0x5a: {  	_ =	shalt  }
0x5b: {  	_ =	shalt  }
0x5c: {  	_ =	shalt  }
0x5d: {  	_ =	shalt  }
0x5e: {  	_ =	shalt  }
0x5f: {  	_ =	shalt  }
0x60: {  	_ =	shalt  }
0x61: {  	_ =	shalt  }
0x62: {  	_ =	shalt  }
0x63: {  	_ =	shalt  }
0x64: {  	_ =	shalt  }
0x65: {  	_ =	shalt  }
0x66: {  	_ =	shalt  }
0x67: {  	_ =	shalt  }
0x68: {  	_ =	shalt  }
0x69: {  	_ =	shalt  }
0x6a: {  	_ =	shalt  }
0x6b: {  	_ =	shalt  }
0x6c: {  	_ =	shalt  }
0x6d: {  	_ =	shalt  }
0x6e: {  	_ =	shalt  }
0x6f: {  	_ =	shalt  }
0x70: {  	_ =	shalt  }
0x71: {  	_ =	shalt  }
0x72: {  	_ =	shalt  }
0x73: {  	_ =	shalt  }
0x74: {  	_ =	shalt  }
0x75: {  	_ =	shalt  }
0x76: {  	_ =	shalt  }
0x77: {  	_ =	shalt  }
0x78: {  	_ =	shalt  }
0x79: {  	_ =	shalt  }
0x7a: {  	_ =	shalt  }
0x7b: {  	_ =	shalt  }
0x7c: {  	_ =	shalt  }
0x7d: {  	_ =	shalt  }
0x7e: {  	_ =	shalt  }
0x7f: {  	_ =	shalt  }
0x80: {  	_ =	shalt  }
0x81: {  	_ =	shalt  }
0x82: {  	_ =	shalt  }
0x83: {  	_ =	shalt  }
0x84: {  	_ =	shalt  }
0x85: {  	_ =	shalt  }
0x86: {  	_ =	shalt  }
0x87: {  	_ =	shalt  }
.Lfunc_end0:
.L_simem_size_0:
called_computation.1_lowered:
.L_overlay_start_0:
0x88: {  	s2 =	sld [smem:$0x3FD9]  }
0x89: {  	s3 =	sld [smem:$0x3FFE];
	_ =	sdelay $0x1  }
0x8a: {  	s1 =	srdreg.scid  }
0x8b: {  	s0 =	sand.u32 $0x1, s1  }
0x8c: {  	s17 =	sshll.u32 s0, $0xA;
	s2 =	sadd.s32 s3, s2  }
0x8d: {  	s2 =	sadd.s32 s2, s17  }
0x8e: {  	[smem:$0x3FBD] =	sst s2  }
0x8f: {  	_ = 	snop  }
0x90: {  	s2 =	sld [smem:$0x3FD0];
	(tm) =	ssettm $0x1  }
0x91: {  	s18 =	sld [smem:$0x3FFB];
	_ =	sdelay $0x3  }
0x92: {  	_ =	strace s18  }
0x93: {  	s3 =	sld [smem:$0x3FFC];
	_ =	sdelay $0x3  }
0x94: {  	_ =	strace s3  }
0x95: {  	s3 =	sld [smem:$0x3FFD];
	_ =	sdelay $0x3  }
0x96: {  	_ =	strace s3  }
0x97: {  	_ =	strace $0x8FFFFFFF  }
0x98: {  	s19 =	sld [smem:$0x3FDB];
	_ =	sdelay $0x1  }
0x99: {  	s4 =	simm.s32 $_scs_section_size  }
0x9a: {  	s5 =	simm.s32 $_size__tile_overlayer_lowered;
	s6 =	simm.s32 $_tile_overlayer_lowered  }
0x9b: {  	s22 =	simm.s32 $0x1BFF;
	s21 =	sshll.u32 s6, $0x1;
	s3 =	sadd.s32 s4, s19  }
0x9c: {  	s7 =	simm.s32 $0x0;
	s20 =	sshll.u32 s5, $0x1;
	s5 =	sadd.s32 s21, s3  }
0x9d: {  	[timem:s7], [sflag:s22] =	dma.local [hbm:s5], s20  }
0x9e: {  	_ =	swait.ge [sflag:s22], s20  }
0x9f: {  	s4 =	ssub.s32 $0x0, s20;
	[sflag:s22] =	ssyncset.done $0x0  }
0xa0: {  	[sflag:s22] =	ssyncadd.s32 s4;
	_ =	sdelay $0x1  }
0xa1: {  	s23 =	simm.s32 $0x1B8B  }
0xa2: {  	_ =	swait.ge [sflag:s23], $0x1  }
0xa3: {  	[sflag:s23] =	ssyncset.done $0x0  }
0xa4: {  	s25 =	simm.s32 $0x1B8E;
	s24 =	sld [smem:$0x3FFE];
	[sflag:s23] =	ssyncadd.s32 $0xFFFFFFFF  }
0xa5: {  	s26 =	simm.s32 $execute0_lowered;
	[smem:$0x3FD2] =	sst s25  }
0xa6: {  	s5 =	sshll.u32 s26, $0x1;
	_ =	strace $0x80000049;
	[dreg:$0x1] =	wrdreg $0xFFFFFFFF  }
0xa7: {  	s28 =	simm.s32 $_size_execute0_lowered;
	s3 =	sadd.s32 s3, s5;
	[dreg:$0x0] =	wrdreg $0x0  }
0xa8: {  	s5 =	sshll.u32 s28, $0x1;
	[dreg:$0x2] =	wrdreg s3  }
0xa9: {  	[dreg:$0x3] =	wrdreg s5  }
0xaa: {  	[dreg:$0x4] =	wrdreg $0xC0  }
0xab: {  	_ =	task [dreg:s7], $0x5FFFF  }
0xac: {  	[dreg:$0x1] =	wrdreg $0xFFFFFFFF  }
0xad: {  	[dreg:$0x0] =	wrdreg $0x60  }
0xae: {  	[dreg:$0x2] =	wrdreg s24  }
0xaf: {  	[dreg:$0x3] =	wrdreg s2  }
0xb0: {  	[dreg:$0x4] =	wrdreg $0x91000  }
0xb1: {  	[dreg:$0x5] =	wrdreg $0x9  }
0xb2: {  	_ =	task.clear_ibuf [dreg:s7], $0x6FFFF;
	_ =	strace $0x90000049  }
0xb3: {  	s29 =	simm.s32 $0x9;
	_ =	strace $0x8000004B  }
0xb4: {  	_ =	swait.ge [sflag:s29], $0x1  }
0xb5: {  	[sflag:s29] =	ssyncadd.s32 $0xFFFFFFFF  }
0xb6: {  	_ =	strace $0x9000004B  }
0xb7: {  	_ =	sfence  }
0xb8: {  	s30 =	sld [smem:$0x0];
	_ =	sdelay $0x2  }
0xb9: {  	s31 =	sshll.u32 s1, $0xD;
	s1 =	sshrl.u32 s1, $0x2  }
0xba: {  	s3 =	sand.u32 $0x4000, s31;
	s1 =	sadd.s32 s1, s30  }
0xbb: {  	s0 =	sor.u32 s3, s0;
	s1 =	sshll.u32 s1, $0x11  }
0xbc: {  	s0 =	sor.u32 s1, s0  }
0xbd: {  	s0 =	sadd.s32 $0x8F2B, s0  }
0xbe: {  	[sflag:s0] =	ssyncadd.remote.s32 $0x1  }
0xbf: {  	_ =	sfence.sel $0xFFFF  }
0xc0: {  	[dreg:$0x0] =	wrdreg $0xFFFFFFFF;
	(pc) =	sbr.abs _section_cstart, $3  }
0xc1: {  	[dreg:$0x1] =	wrdreg $0xFFFFFFFF  }
0xc2: {  	_ =	task.clear_ibuf [dreg:s7], $0x2FFFF;
	_ =	strace $0x9FFFFFFF  }
0xc3: {  	(tm) =	ssettm $0x7FFFFFFF  }
tec
execute0_lowered:
.L_overlay_start_1:
0x0: {  	(tag) =	ssettag $0x1  }
0x1: {  	s0 =	rddreg [dreg:$0x0]  }
0x2: {  	s2 =	rddreg [dreg:$0x1];
	s28 =	stileid.u32  }
0x3: {  	s1 =	rddreg [dreg:$0x2];
	s3 =	simm.s32 $0x0;
	s4 =	smul.u32 $0x4E200, s28  }
0x4: {  	s5 =	srdreg.scid;
	s29 =	simm.s32 $0x50;
	s19 =	smul.u32 $0x50000, s28  }
0x5: {  	s30 =	simm.s32 $0x80;
	s17 =	sand.u32 $0x1, s5;
	s13 =	smul.u32 $0x14000, s28  }
0x6: {  	s31 =	simm.s32 $0x0;
	[smem:$0x7FF] =	sst s3;
	s14 =	smul.u32 $0x142800, s17  }
0x7: {  	s5 =	sadd.s32 $0x140000, s1;
	p0 =	sne.s32 s28, $0x0;
	s26 =	smul.u32 $0x2710, s17  }
0x8: {  	_ =	strace $0x8000004A;
	s6 =	ssub.s32 $0x2, s17;
	s17 =	smul.u32 $0x27100, s17  }
0x9: {  	s18 =	sadd.s32 s4, s0;
	s0 =	sadd.s32 $0x3800, s0;
	s20 =	sshrl.u32 s6, $0x1  }
0xa: {  	s21 =	sshrl.u32 s19, $0x2;
	s19 =	sadd.s32 $0x4000, s13;
	s7 =	ssub.s32 s6, s20  }
0xb: {  	s22 =	sshrl.u32 s14, $0x3;
	s4 =	sadd.s32 s21, s1;
	s11 =	sadd.s32 s14, s13  }
0xc: {  	s12 =	sadd.s32 s14, s19;
	s20 =	sadd.s32 $0x8000, s13;
	s21 =	sadd.s32 $0xC000, s13  }
0xd: {  	s19 =	sadd.s32 s19, s1;
	s18 =	sadd.s32 s17, s18;
	s23 =	sadd.s32 s0, s22  }
0xe: {  	s24 =	smax.u32 s7, $0x1;
	s8 =	sadd.s32 $0x4000, s4;
	s9 =	sadd.s32 $0x8000, s4  }
0xf: {  	s10 =	sadd.s32 $0xC000, s4;
	s11 =	sshrl.u32 s11, $0x3;
	s12 =	sshrl.u32 s12, $0x3  }
0x10: {  	s15 =	sadd.s32 s14, s20;
	s22 =	sadd.s32 $0x10000, s13;
	s17 =	sadd.s32 $0x140D800, s18  }
0x11: {  	s25 =	sadd.s32 s14, s21;
	s18 =	sadd.s32 $0x18EF800, s18;
	s6 =	sadd.s32 $0x28000, s23  }
0x12: {  	[dreg:$0x5] =	wrdreg s24;
	s11 =	sadd.s32 s0, s11;
	s12 =	sadd.s32 s0, s12  }
0x13: {  	s15 =	sshrl.u32 s15, $0x3;
	s14 =	sadd.s32 s14, s22;
	s23 =	smul.u32 $0x4E20, s28  }
0x14: {  	s24 =	sadd.s32 s20, s1;
	s20 =	simm.s32 $0x5100;
	s28 =	simm.s32 $0x2900  }
0x15: {  	[dreg:$0x4] =	wrdreg s6;
	s13 =	sadd.s32 s0, s15;
	s15 =	sshrl.u32 s25, $0x3  }
0x16: {  	s16 =	sshrl.u32 s14, $0x3;
	s25 =	sadd.s32 s21, s1;
	s21 =	simm.s32 $0x1  }
0x17: {  	s14 =	sadd.s32 s0, s15;
	s15 =	sadd.s32 s0, s16;
	s16 =	sadd.s32 $0x10000, s4  }
0x18: {  	s0 =	sadd.s32 s26, s23;
	s26 =	sadd.s32 s22, s1;
	s22 =	sshrl.u32 s19, $0x3  }
0x19: {  	s23 =	sshrl.u32 s24, $0x3;
	s24 =	sshrl.u32 s25, $0x3;
	s0 =	sshrl.u32 s0, $0x3  }
0x1a: {  	v0 =	vimm.f32 $0.0e+00;
	s25 =	sshrl.u32 s26, $0x3;
	s26 =	simm.s32 $0x100;
	s2 =	sadd.s32 s0, s2  }
.LBB2_1:
0x1b: {  	s0 =	simm.s32 $0x0;
	s19 =	simm.s32 $0x200  }
.LBB2_2:
0x1c: {  	p1 =	sne.s32 s19, $0xFE00;
	[tilespmem:s0+$0x5170] =	vst v0  }
0x1d: {  	[tilespmem:s0+$0x5100] =	vst v0  }
0x1e: {  	[tilespmem:s0+$0x5110] =	vst v0  }
.Ltmp0:
0x1f: {  	[tilespmem:s0+$0x5120] =	vst v0;
	(pc) =	sbr.rel @p1 .LBB2_2-.Ltmp0, $4  }
0x20: {  	[tilespmem:s0+$0x5130] =	vst v0  }
0x21: {  	[tilespmem:s0+$0x5140] =	vst v0  }
0x22: {  	[tilespmem:s0+$0x5150] =	vst v0  }
0x23: {  	[tilespmem:s0+$0x5160] =	vst v0;
	s0 =	sshra.s32 s19, $0x2;
	s19 =	sadd.s32 $0x200, s19  }
0x24: {  	[tilespmem:s0+$0x5170] =	vst v0  }
0x25: {  	[tilespmem:s0+$0x5100] =	vst v0  }
0x26: {  	[tilespmem:s0+$0x5110] =	vst v0  }
0x27: {  	[tilespmem:s0+$0x5120] =	vst v0  }
0x28: {  	[tilespmem:s0+$0x5130] =	vst v0  }
0x29: {  	[tilespmem:s0+$0x5140] =	vst v0  }
0x2a: {  	[tilespmem:s0+$0x5150] =	vst v0  }
0x2b: {  	[tilespmem:s0+$0x5160] =	vst v0  }
0x2c: {  	[spmem:s4] =	stream.linear.scatter [tilespmem:s20], [sflag:$0x1], $0x4000, $0x38;
	[tilespmem:$0x1D380] =	vst v63  }
0x2d: {  	_ =	swait.ge [sflag:s21], $0x4000  }
0x2e: {  	[sflag:s21] =	ssyncset.done $0x0  }
0x2f: {  	[sflag:s21] =	ssyncadd.s32 $0xFFFFC000  }
0x30: {  	[spmem:s8] =	stream.linear.scatter [tilespmem:s20], [sflag:$0x1], $0x4000, $0x38;
	[tilespmem:$0x1D380] =	vst v63  }
0x31: {  	_ =	swait.ge [sflag:s21], $0x4000  }
0x32: {  	[sflag:s21] =	ssyncset.done $0x0  }
0x33: {  	[sflag:s21] =	ssyncadd.s32 $0xFFFFC000  }
0x34: {  	[spmem:s9] =	stream.linear.scatter [tilespmem:s20], [sflag:$0x1], $0x4000, $0x38;
	[tilespmem:$0x1D380] =	vst v63  }
0x35: {  	_ =	swait.ge [sflag:s21], $0x4000  }
0x36: {  	[sflag:s21] =	ssyncset.done $0x0  }
0x37: {  	[sflag:s21] =	ssyncadd.s32 $0xFFFFC000  }
0x38: {  	[spmem:s10] =	stream.linear.scatter [tilespmem:s20], [sflag:$0x1], $0x4000, $0x38;
	[tilespmem:$0x1D380] =	vst v63  }
0x39: {  	_ =	swait.ge [sflag:s21], $0x4000  }
0x3a: {  	[sflag:s21] =	ssyncset.done $0x0  }
0x3b: {  	[sflag:s21] =	ssyncadd.s32 $0xFFFFC000  }
0x3c: {  	[spmem:s16] =	stream.linear.scatter [tilespmem:s20], [sflag:$0x1], $0x4000, $0x38;
	[tilespmem:$0x1D380] =	vst v63  }
0x3d: {  	_ =	swait.ge [sflag:s21], $0x4000  }
0x3e: {  	[sflag:s21] =	ssyncset.done $0x0  }
0x3f: {  	s0 =	simm.s32 @!p0 $0x5100;
	[sflag:s21] =	ssyncadd.s32 $0xFFFFC000  }
0x40: {  	[spmem:s5] =	stream.linear.scatter @!p0 [tilespmem:s0], [sflag:$0x1], $0x2800, $0x38;
	[tilespmem:$0x1D380] =	vst v63  }
0x41: {  	s0 =	simm.s32 @!p0 $0x1  }
0x42: {  	_ =	swait.ge @!p0 [sflag:s0], $0x2800  }
0x43: {  	[sflag:s0] =	ssyncset.done @!p0 $0x0  }
0x44: {  	[sflag:s0] =	ssyncadd.s32 @!p0 $0xFFFFD800  }
0x45: {  	[bflag:$0x0] =	sbarrier.arrive $0xFFFF  }
0x46: {  	[tilespmem:s3], [sflag:$0x1] =	stream.linear.gather [hbm4b:s2+s3], $0x50, $0x38;
	[tilespmem:$0x1D380] =	vst v63  }
0x47: {  	_ =	swait.ge [sflag:s21], $0x50  }
0x48: {  	[sflag:s21] =	ssyncset.done $0x0  }
0x49: {  	s7 =	sadd.s32 $0x0, s17;
	[sflag:s21] =	ssyncadd.s32 $0xFFFFFFB0  }
0x4a: {  	[tilespmem:s26], [sflag:$0x1] =	stream.linear.gather [hbm4b:s7+s3], $0x2800, $0x38;
	[tilespmem:$0x1D380] =	vst v63  }
0x4b: {  	_ =	swait.ge [sflag:s21], $0x2800  }
0x4c: {  	[sflag:s21] =	ssyncset.done $0x0  }
0x4d: {  	s19 =	sadd.s32 $0x0, s18;
	[sflag:s21] =	ssyncadd.s32 $0xFFFFD800  }
0x4e: {  	[tilespmem:s28], [sflag:$0x1] =	stream.linear.gather [hbm4b:s19+s3], $0x2800, $0x38;
	[tilespmem:$0x1D380] =	vst v63  }
0x4f: {  	_ =	swait.ge [sflag:s21], $0x2800  }
0x50: {  	[sflag:s21] =	ssyncset.done $0x0  }
0x51: {  	[sflag:s21] =	ssyncadd.s32 $0xFFFFD800  }
0x52: {  	v1 =	vld [tilespmem:$0x40]  }
0x53: {  	v2 =	vld [tilespmem:$0x30]  }
0x54: {  	v3 =	vld [tilespmem:$0x20]  }
0x55: {  	v4 =	vld [tilespmem:$0x10]  }
0x56: {  	v5 =	vld [tilespmem:$0x0]  }
0x57: {  	v1 =	vshrl.u32 v1, $0x7  }
0x58: {  	v2 =	vshrl.u32 v2, $0x7;
	v1 =	vadd.s32 $0x2800, v1  }
0x59: {  	v3 =	vshrl.u32 v3, $0x7;
	v2 =	vadd.s32 $0x2800, v2;
	[tilespmem:$0xC0] =	vst v1  }
0x5a: {  	v3 =	vadd.s32 $0x2800, v3;
	v1 =	vshrl.u32 v4, $0x7;
	[tilespmem:$0xB0] =	vst v2  }
0x5b: {  	v2 =	vshrl.u32 v5, $0x7;
	[tilespmem:$0xA0] =	vst v3;
	v1 =	vadd.s32 $0x2800, v1  }
0x5c: {  	v2 =	vadd.s32 $0x2800, v2;
	[tilespmem:$0x90] =	vst v1  }
0x5d: {  	[tilespmem:$0x80] =	vst v2  }
0x5e: {  	[spmem:s1] =	stream.indirect.scatter.add.f32 [tilespmem:s26], [sflag:$0x1], $0x80, s3, s29, $0xb8;
	[tilespmem:$0x1D380] =	vst v63  }
0x5f: {  	_ =	swait.ge [sflag:s21], $0x2800  }
0x60: {  	s0 =	simm.s32 $0x500;
	s19 =	smov.u32 s2;
	[sflag:s21] =	ssyncset.done $0x0  }
.LBB2_4:
0x61: {  	p1 =	sne.s32 s0, $0x26C00;
	[sflag:s21] =	ssyncadd.s32 $0xFFFFD800;
	s19 =	sadd.s32 $0xA, s19  }
0x62: {  	[spmem:s1] =	stream.indirect.scatter.add.f32 [tilespmem:s28], [sflag:$0x1], $0x80, s30, s29, $0xb8;
	[tilespmem:$0x1D380] =	vst v63  }
0x63: {  	s6 =	smov.u32 s0;
	s0 =	sadd.s32 $0x500, s0;
	_ =	swait.ge [sflag:s21], $0x2800  }
0x64: {  	[sflag:s21] =	ssyncset.done $0x0  }
0x65: {  	[sflag:s21] =	ssyncadd.s32 $0xFFFFD800  }
0x66: {  	[tilespmem:s3], [sflag:$0x1] =	stream.linear.gather [hbm4b:s19+s3], $0x50, $0x38;
	[tilespmem:$0x1D380] =	vst v63  }
0x67: {  	_ =	swait.ge [sflag:s21], $0x50  }
0x68: {  	[sflag:s21] =	ssyncset.done $0x0  }
0x69: {  	s7 =	sadd.s32 s6, s17;
	[sflag:s21] =	ssyncadd.s32 $0xFFFFFFB0  }
0x6a: {  	[tilespmem:s26], [sflag:$0x1] =	stream.linear.gather [hbm4b:s7+s3], $0x2800, $0x38;
	[tilespmem:$0x1D380] =	vst v63  }
0x6b: {  	_ =	swait.ge [sflag:s21], $0x2800  }
0x6c: {  	[sflag:s21] =	ssyncset.done $0x0  }
0x6d: {  	s6 =	sadd.s32 s6, s18;
	[sflag:s21] =	ssyncadd.s32 $0xFFFFD800  }
0x6e: {  	[tilespmem:s28], [sflag:$0x1] =	stream.linear.gather [hbm4b:s6+s3], $0x2800, $0x38;
	[tilespmem:$0x1D380] =	vst v63  }
0x6f: {  	_ =	swait.ge [sflag:s21], $0x2800  }
0x70: {  	[sflag:s21] =	ssyncset.done $0x0  }
0x71: {  	[sflag:s21] =	ssyncadd.s32 $0xFFFFD800  }
0x72: {  	v1 =	vld [tilespmem:$0x40]  }
0x73: {  	v2 =	vld [tilespmem:$0x30]  }
0x74: {  	v3 =	vld [tilespmem:$0x20]  }
0x75: {  	v4 =	vld [tilespmem:$0x10]  }
0x76: {  	v5 =	vld [tilespmem:$0x0]  }
0x77: {  	v1 =	vshrl.u32 v1, $0x7  }
0x78: {  	v2 =	vshrl.u32 v2, $0x7;
	v1 =	vadd.s32 $0x2800, v1  }
0x79: {  	v3 =	vshrl.u32 v3, $0x7;
	v2 =	vadd.s32 $0x2800, v2;
	[tilespmem:$0xC0] =	vst v1  }
0x7a: {  	v1 =	vshrl.u32 v4, $0x7;
	v3 =	vadd.s32 $0x2800, v3;
	[tilespmem:$0xB0] =	vst v2  }
0x7b: {  	v2 =	vshrl.u32 v5, $0x7;
	v1 =	vadd.s32 $0x2800, v1;
	[tilespmem:$0xA0] =	vst v3  }
.Ltmp1:
0x7c: {  	v2 =	vadd.s32 $0x2800, v2;
	[tilespmem:$0x90] =	vst v1;
	(pc) =	sbr.rel @p1 .LBB2_4-.Ltmp1, $4  }
0x7d: {  	[tilespmem:$0x80] =	vst v2  }
0x7e: {  	[spmem:s1] =	stream.indirect.scatter.add.f32 [tilespmem:s26], [sflag:$0x1], $0x80, s3, s29, $0xb8;
	[tilespmem:$0x1D380] =	vst v63  }
0x7f: {  	_ =	swait.ge [sflag:s21], $0x2800  }
0x80: {  	[sflag:s21] =	ssyncset.done $0x0  }
0x81: {  	[sflag:s21] =	ssyncadd.s32 $0xFFFFD800  }
0x82: {  	[spmem:s1] =	stream.indirect.scatter.add.f32 [tilespmem:s28], [sflag:$0x1], $0x80, s30, s29, $0xb8;
	[tilespmem:$0x1D380] =	vst v63  }
0x83: {  	_ =	swait.ge [sflag:s21], $0x2800  }
0x84: {  	s0 =	stileid.u32;
	[sflag:s21] =	ssyncset.done $0x0  }
0x85: {  	s0 =	sshll.u32 s0, $0x6;
	[sflag:s21] =	ssyncadd.s32 $0xFFFFD800  }
0x86: {  	s6 =	sshrl.u32 s4, $0x3;
	s0 =	sor.u32 $0x1C01, s0;
	[bflag:$0x0] =	sbarrier.arrive $0xFFFF  }
0x87: {  	[hbm:s11], [sflag:s0] =	dma.local [spmem:s6], $0x800  }
0x88: {  	_ =	swait.ge [sflag:s21], $0x800  }
0x89: {  	[sflag:s21] =	ssyncset.done $0x0  }
0x8a: {  	[sflag:s21] =	ssyncadd.s32 $0xFFFFF800  }
0x8b: {  	[hbm:s12], [sflag:s0] =	dma.local [spmem:s22], $0x800  }
0x8c: {  	_ =	swait.ge [sflag:s21], $0x800  }
0x8d: {  	[sflag:s21] =	ssyncset.done $0x0  }
0x8e: {  	[sflag:s21] =	ssyncadd.s32 $0xFFFFF800  }
0x8f: {  	[hbm:s13], [sflag:s0] =	dma.local [spmem:s23], $0x800  }
0x90: {  	_ =	swait.ge [sflag:s21], $0x800  }
0x91: {  	[sflag:s21] =	ssyncset.done $0x0  }
0x92: {  	[sflag:s21] =	ssyncadd.s32 $0xFFFFF800  }
0x93: {  	[hbm:s14], [sflag:s0] =	dma.local [spmem:s24], $0x800  }
0x94: {  	_ =	swait.ge [sflag:s21], $0x800  }
0x95: {  	[sflag:s21] =	ssyncset.done $0x0  }
0x96: {  	[sflag:s21] =	ssyncadd.s32 $0xFFFFF800  }
0x97: {  	[hbm:s15], [sflag:s0] =	dma.local [spmem:s25], $0x800  }
0x98: {  	_ =	swait.ge [sflag:s21], $0x800  }
0x99: {  	s6 =	simm.s32 @!p0 $0x1C01;
	[sflag:s21] =	ssyncset.done $0x0  }
0x9a: {  	s0 =	sshrl.u32 @!p0 s5, $0x3;
	s7 =	rddreg [dreg:$0x4];
	[sflag:s21] =	ssyncadd.s32 $0xFFFFF800  }
0x9b: {  	[hbm:s7], [sflag:s6] =	dma.local @!p0 [spmem:s0], $0x500  }
0x9c: {  	s0 =	simm.s32 @!p0 $0x1  }
0x9d: {  	_ =	swait.ge @!p0 [sflag:s0], $0x500  }
0x9e: {  	s31 =	sadd.s32 $0x1, s31;
	s19 =	rddreg [dreg:$0x5]  }
0x9f: {  	p1 =	sne.s32 s31, s19  }
.Ltmp2:
0xa0: {  	_ = 	snop;
	(pc) =	sbr.rel @p1 .LBB2_1-.Ltmp2, $3  }
0xa1: {  	_ =	sdelay $0x1  }
0xa2: {  	[sflag:s0] =	ssyncset.done @!p0 $0x0  }
0xa3: {  	[sflag:s0] =	ssyncadd.s32 @!p0 $0xFFFFFB00  }
0xa4: {  	_ =	sfence.sel $0x180000  }
0xa5: {  	[bflag:$0x0] =	sbarrier.arrive $0xFFFF  }
0xa6: {  	_ =	strace $0x9000004A  }
0xa7: {  	[bflag:$0x2] =	sbarrier.arrive $0xFFFF  }
0xa8: {  	s0 =	rddreg [dreg:$0x3]  }
0xa9: {  	s0 =	sadd.s32 @!p0 $0x100000, s0  }
0xaa: {  	[sflag:s0] =	ssyncadd.tile.s32 @!p0 $0x1;
	_ =	shalt  }
.Lfunc_end2:
_tile_overlayer_lowered:
.L_overlay_start_2:
0xab: {  	(tag) =	ssettag $0x2  }
0xac: {  	s0 =	rddreg [dreg:$0x0];
	s2 =	stileid.u32  }
0xad: {  	s1 =	rddreg [dreg:$0x1];
	p0 =	sne.s32 s2, $0x0  }
0xae: {  	s3 =	rddreg [dreg:$0x2];
	[bflag:$0x3] =	sbarrier.arrive $0xFFFF;
	s2 =	simm.s32 @!p0 $0x1C01  }
0xaf: {  	[timem:s3], [sflag:s2] =	dma.local @!p0 [hbm:s0], s1  }
0xb0: {  	s0 =	simm.s32 @!p0 $0x1  }
0xb1: {  	_ =	swait.ge @!p0 [sflag:s0], s1  }
0xb2: {  	s1 =	ssub.s32 @!p0 $0x0, s1;
	[sflag:s0] =	ssyncset.done @!p0 $0x0  }
0xb3: {  	[sflag:s0] =	ssyncadd.s32 @!p0 s1  }
0xb4: {  	[bflag:$0x3] =	sbarrier.arrive $0xFFFF  }
0xb5: {  	_ =	shalt  }

// kernel: kernel.7.cloned.1.call-start
scs
__scs_entry_jumppad:
0x0: {  	(pc) =	sbr.rel $0x88, $3  }
0x1: {  	(tag) =	ssettag $0x0;
	lr =	simm.s32 $0x1  }
0x2: {  	[smem:$0x3F96] =	sst lr;
	_ =	strace $0xD0000000  }
0x3: {  	_ = 	snop  }
0x4: {  	_ = 	snop  }
0x5: {  	_ = 	snop  }
0x6: {  	_ = 	snop  }
0x7: {  	_ = 	snop  }
__scs_overlays_trampoline_lowered:
0x8: {  	[smem:$0x3FA5] =	sst s0  }
0x9: {  	[smem:$0x3FA6] =	sst s1  }
0xa: {  	[smem:$0x3FA7] =	sst s2  }
0xb: {  	[smem:$0x3FA8] =	sst s3  }
0xc: {  	[smem:$0x3FA9] =	sst s4  }
0xd: {  	[smem:$0x3FAA] =	sst s5  }
0xe: {  	[smem:$0x3FAB] =	sst s6  }
0xf: {  	[smem:$0x3FAC] =	sst s7  }
0x10: {  	[smem:$0x3FAD] =	sst s8  }
0x11: {  	[smem:$0x3FAE] =	sst s9;
	s0 =	simm.s32 @!p0 $0x0  }
0x12: {  	s1 =	sld [smem:$0x3F94];
	s0 =	simm.s32 @p0 $0x1  }
0x13: {  	[smem:$0x3FAF] =	sst s0;
	s0 =	simm.s32 @!p1 $0x0  }
0x14: {  	s2 =	sld [smem:$0x3F93];
	s0 =	simm.s32 @p1 $0x1  }
0x15: {  	[smem:$0x3FB0] =	sst s0;
	s0 =	simm.s32 @!p2 $0x0  }
0x16: {  	s3 =	sld [smem:$0x3FDB];
	s0 =	simm.s32 @p2 $0x1  }
0x17: {  	s4 =	simm.s32 $0x1BF5;
	[smem:$0x3FB2] =	sst s0  }
0x18: {  	s0 =	sld [smem:$0x3F95];
	_ =	swait.ge [sflag:s4], $0x0  }
0x19: {  	s7 =	sld [smem:$0x3F96]  }
0x1a: {  	s8 =	sadd.s32 $0xFFFFE003, lr  }
0x1b: {  	s9 =	sadd.s32 $0xFFFFFEF7, lr;
	s5 =	simm.s32 $0xFFFFFFFF;
	p2 =	slt.u32 s8, $0xFFFFF086  }
0x1c: {  	p1 =	slt.u32 s9, $0xF7A;
	s5 =	simm.s32 @!p2 $0x0  }
0x1d: {  	s5 =	simm.s32 @p1 $0x1;
	p0 =	seq.s32 s7, s2  }
0x1e: {  	s7 =	smul.u32 @!p0 $0xF7A, s2;
	p2 =	seq.s32 @!p0 s5, $0x0  }
0x1f: {  	s9 =	smul.u32 $0xF7A, s1;
	s8 =	simm.s32 @!p0 $0x1BF5;
	p2 =	por !p2, p0  }
0x20: {  	[sflag:s8] =	ssyncset.s32 @!p0 $0xFFFFF086;
	s6 =	sadd.s32 @!p0 s3, s7;
	s7 =	simm.s32 @!p0 $0x108  }
0x21: {  	s3 =	sadd.s32 s3, s9;
	s6 =	sadd.s32 @!p0 $0x88, s6;
	s7 =	simm.s32 @p2 $0x1082  }
0x22: {  	[simem:s7], [sflag:s8] =	dma.local @!p0 [hbm:s6], $0xF7A  }
0x23: {  	s9 =	sor.u32 $0xD0000000, s2;
	s6 =	simm.s32 $0x108;
	_ =	swait.ge @!p0 [sflag:s8], $0x0  }
0x24: {  	s3 =	sadd.s32 $0x88, s3;
	s6 =	simm.s32 @!p1 $0x1082;
	[sflag:s4] =	ssyncset.s32 $0xFFFFF086  }
0x25: {  	[simem:s6], [sflag:s4] =	dma.local [hbm:s3], $0xF7A  }
0x26: {  	[smem:$0x3F96] =	sst s1;
	(tag) =	ssettag s2;
	_ =	strace s9  }
0x27: {  	s1 =	sld [smem:$0x3FA6]  }
0x28: {  	s2 =	sld [smem:$0x3FA7]  }
0x29: {  	s4 =	sld [smem:$0x3FA9]  }
0x2a: {  	p0 =	seq.s32 s5, $0x0;
	s5 =	sld [smem:$0x3FAA]  }
0x2b: {  	s6 =	sld [smem:$0x3FAB]  }
0x2c: {  	s7 =	sld [smem:$0x3FAC]  }
0x2d: {  	s3 =	simm.s32 $0x108;
	s8 =	sld [smem:$0x3FAD]  }
0x2e: {  	s3 =	simm.s32 @!p0 $0x1082;
	s9 =	sld [smem:$0x3FAE]  }
0x2f: {  	lr =	sadd.s32 s0, s3;
	s0 =	sld [smem:$0x3FA5]  }
0x30: {  	s3 =	sld [smem:$0x3FA8]  }
0x31: {  	[smem:$0x3FB1] =	sst s10  }
0x32: {  	s10 =	sld [smem:$0x3FAF];
	_ =	sdelay $0x3  }
0x33: {  	p0 =	seq.s32 s10, $0x1;
	s10 =	sld [smem:$0x3FB1];
	_ =	sdelay $0x3  }
0x34: {  	[smem:$0x3FB1] =	sst s10  }
0x35: {  	s10 =	sld [smem:$0x3FB0];
	_ =	sdelay $0x3  }
0x36: {  	p1 =	seq.s32 s10, $0x1;
	s10 =	sld [smem:$0x3FB1];
	_ =	sdelay $0x3  }
0x37: {  	[smem:$0x3FB1] =	sst s10  }
0x38: {  	s10 =	sld [smem:$0x3FB2]  }
0x39: {  	_ = 	snop;
	(pc) =	sbr.ind lr, $3  }
0x3a: {  	_ = 	snop  }
0x3b: {  	_ = 	snop  }
0x3c: {  	p2 =	seq.s32 s10, $0x1;
	s10 =	sld [smem:$0x3FB1]  }
0x3d: {  	_ =	shalt  }
0x3e: {  	_ =	shalt  }
0x3f: {  	_ =	shalt  }
0x40: {  	_ =	shalt  }
0x41: {  	_ =	shalt  }
0x42: {  	_ =	shalt  }
0x43: {  	_ =	shalt  }
0x44: {  	_ =	shalt  }
0x45: {  	_ =	shalt  }
0x46: {  	_ =	shalt  }
0x47: {  	_ =	shalt  }
0x48: {  	_ =	shalt  }
0x49: {  	_ =	shalt  }
0x4a: {  	_ =	shalt  }
0x4b: {  	_ =	shalt  }
0x4c: {  	_ =	shalt  }
0x4d: {  	_ =	shalt  }
0x4e: {  	_ =	shalt  }
0x4f: {  	_ =	shalt  }
0x50: {  	_ =	shalt  }
0x51: {  	_ =	shalt  }
0x52: {  	_ =	shalt  }
0x53: {  	_ =	shalt  }
0x54: {  	_ =	shalt  }
0x55: {  	_ =	shalt  }
0x56: {  	_ =	shalt  }
0x57: {  	_ =	shalt  }
0x58: {  	_ =	shalt  }
0x59: {  	_ =	shalt  }
0x5a: {  	_ =	shalt  }
0x5b: {  	_ =	shalt  }
0x5c: {  	_ =	shalt  }
0x5d: {  	_ =	shalt  }
0x5e: {  	_ =	shalt  }
0x5f: {  	_ =	shalt  }
0x60: {  	_ =	shalt  }
0x61: {  	_ =	shalt  }
0x62: {  	_ =	shalt  }
0x63: {  	_ =	shalt  }
0x64: {  	_ =	shalt  }
0x65: {  	_ =	shalt  }
0x66: {  	_ =	shalt  }
0x67: {  	_ =	shalt  }
0x68: {  	_ =	shalt  }
0x69: {  	_ =	shalt  }
0x6a: {  	_ =	shalt  }
0x6b: {  	_ =	shalt  }
0x6c: {  	_ =	shalt  }
0x6d: {  	_ =	shalt  }
0x6e: {  	_ =	shalt  }
0x6f: {  	_ =	shalt  }
0x70: {  	_ =	shalt  }
0x71: {  	_ =	shalt  }
0x72: {  	_ =	shalt  }
0x73: {  	_ =	shalt  }
0x74: {  	_ =	shalt  }
0x75: {  	_ =	shalt  }
0x76: {  	_ =	shalt  }
0x77: {  	_ =	shalt  }
0x78: {  	_ =	shalt  }
0x79: {  	_ =	shalt  }
0x7a: {  	_ =	shalt  }
0x7b: {  	_ =	shalt  }
0x7c: {  	_ =	shalt  }
0x7d: {  	_ =	shalt  }
0x7e: {  	_ =	shalt  }
0x7f: {  	_ =	shalt  }
0x80: {  	_ =	shalt  }
0x81: {  	_ =	shalt  }
0x82: {  	_ =	shalt  }
0x83: {  	_ =	shalt  }
0x84: {  	_ =	shalt  }
0x85: {  	_ =	shalt  }
0x86: {  	_ =	shalt  }
0x87: {  	_ =	shalt  }
.Lfunc_end0:
.L_simem_size_0:
called_computation_lowered:
.L_overlay_start_0:
0x88: {  	s2 =	sld [smem:$0x3FD9]  }
0x89: {  	s3 =	sld [smem:$0x3FFE];
	_ =	sdelay $0x1  }
0x8a: {  	s1 =	srdreg.scid  }
0x8b: {  	s0 =	sand.u32 $0x1, s1  }
0x8c: {  	s17 =	sshll.u32 s0, $0xA;
	s2 =	sadd.s32 s3, s2  }
0x8d: {  	s2 =	sadd.s32 s2, s17  }
0x8e: {  	[smem:$0x3FBD] =	sst s2  }
0x8f: {  	_ = 	snop  }
0x90: {  	s2 =	sld [smem:$0x3FD0];
	(tm) =	ssettm $0x1  }
0x91: {  	s18 =	sld [smem:$0x3FFB];
	_ =	sdelay $0x3  }
0x92: {  	_ =	strace s18  }
0x93: {  	s3 =	sld [smem:$0x3FFC];
	_ =	sdelay $0x3  }
0x94: {  	_ =	strace s3  }
0x95: {  	s3 =	sld [smem:$0x3FFD];
	_ =	sdelay $0x3  }
0x96: {  	_ =	strace s3  }
0x97: {  	_ =	strace $0x8FFFFFFF  }
0x98: {  	s19 =	sld [smem:$0x3FDB];
	_ =	sdelay $0x1  }
0x99: {  	s4 =	simm.s32 $_scs_section_size  }
0x9a: {  	s5 =	simm.s32 $_size__tile_overlayer_lowered;
	s6 =	simm.s32 $_tile_overlayer_lowered  }
0x9b: {  	s22 =	simm.s32 $0x1BFF;
	s21 =	sshll.u32 s6, $0x1;
	s3 =	sadd.s32 s4, s19  }
0x9c: {  	s7 =	simm.s32 $0x0;
	s20 =	sshll.u32 s5, $0x1;
	s5 =	sadd.s32 s21, s3  }
0x9d: {  	[timem:s7], [sflag:s22] =	dma.local [hbm:s5], s20  }
0x9e: {  	_ =	swait.ge [sflag:s22], s20  }
0x9f: {  	s4 =	ssub.s32 $0x0, s20;
	[sflag:s22] =	ssyncset.done $0x0  }
0xa0: {  	[sflag:s22] =	ssyncadd.s32 s4;
	_ =	sdelay $0x1  }
0xa1: {  	s23 =	simm.s32 $0x1B8B  }
0xa2: {  	_ =	swait.ge [sflag:s23], $0x1  }
0xa3: {  	[sflag:s23] =	ssyncset.done $0x0  }
0xa4: {  	s25 =	simm.s32 $0x1B8E;
	s24 =	sld [smem:$0x3FFE];
	[sflag:s23] =	ssyncadd.s32 $0xFFFFFFFF  }
0xa5: {  	s26 =	simm.s32 $execute0_lowered;
	[smem:$0x3FD2] =	sst s25  }
0xa6: {  	s5 =	sshll.u32 s26, $0x1;
	_ =	strace $0x80000046;
	[dreg:$0x1] =	wrdreg $0xFFFFFFFF  }
0xa7: {  	s28 =	simm.s32 $_size_execute0_lowered;
	s3 =	sadd.s32 s3, s5;
	[dreg:$0x0] =	wrdreg $0x0  }
0xa8: {  	s5 =	sshll.u32 s28, $0x1;
	[dreg:$0x2] =	wrdreg s3  }
0xa9: {  	[dreg:$0x3] =	wrdreg s5  }
0xaa: {  	[dreg:$0x4] =	wrdreg $0xC0  }
0xab: {  	_ =	task [dreg:s7], $0x5FFFF  }
0xac: {  	[dreg:$0x1] =	wrdreg $0xFFFFFFFF  }
0xad: {  	[dreg:$0x0] =	wrdreg $0x60  }
0xae: {  	[dreg:$0x2] =	wrdreg s24  }
0xaf: {  	[dreg:$0x3] =	wrdreg s2  }
0xb0: {  	[dreg:$0x4] =	wrdreg $0x9  }
0xb1: {  	_ =	task.clear_ibuf [dreg:s7], $0x5FFFF;
	_ =	strace $0x90000046  }
0xb2: {  	s29 =	simm.s32 $0x9;
	_ =	strace $0x80000048  }
0xb3: {  	_ =	swait.ge [sflag:s29], $0x1  }
0xb4: {  	[sflag:s29] =	ssyncadd.s32 $0xFFFFFFFF  }
0xb5: {  	_ =	strace $0x90000048  }
0xb6: {  	_ =	sfence  }
0xb7: {  	s30 =	sld [smem:$0x0];
	_ =	sdelay $0x2  }
0xb8: {  	s31 =	sshll.u32 s1, $0xD;
	s1 =	sshrl.u32 s1, $0x2  }
0xb9: {  	s3 =	sand.u32 $0x4000, s31;
	s1 =	sadd.s32 s1, s30  }
0xba: {  	s0 =	sor.u32 s3, s0;
	s1 =	sshll.u32 s1, $0x11  }
0xbb: {  	s0 =	sor.u32 s1, s0  }
0xbc: {  	s0 =	sadd.s32 $0x8F2B, s0  }
0xbd: {  	[sflag:s0] =	ssyncadd.remote.s32 $0x1  }
0xbe: {  	_ =	sfence.sel $0xFFFF  }
0xbf: {  	[dreg:$0x0] =	wrdreg $0xFFFFFFFF;
	(pc) =	sbr.abs _section_cstart, $3  }
0xc0: {  	[dreg:$0x1] =	wrdreg $0xFFFFFFFF  }
0xc1: {  	_ =	task.clear_ibuf [dreg:s7], $0x2FFFF;
	_ =	strace $0x9FFFFFFF  }
0xc2: {  	(tm) =	ssettm $0x7FFFFFFF  }
0xc3: {  	_ =	shalt  }
tec
execute0_lowered:
.L_overlay_start_1:
0x0: {  	(tag) =	ssettag $0x1  }
0x1: {  	s5 =	rddreg [dreg:$0x0]  }
0x2: {  	s8 =	rddreg [dreg:$0x1]  }
0x3: {  	s0 =	rddreg [dreg:$0x2]  }
0x4: {  	s2 =	simm.s32 $0x0;
	s3 =	srdreg.scid;
	s1 =	stileid.u32  }
0x5: {  	s13 =	simm.s32 $0x100;
	s14 =	simm.s32 $0x2900;
	s15 =	simm.s32 $0x1  }
0x6: {  	s16 =	simm.s32 $0x2;
	s17 =	simm.s32 $0x0;
	s7 =	smul.u32 $0x4E20, s1  }
0x7: {  	[smem:$0x7FF] =	sst s2;
	s6 =	sand.u32 $0x1, s3;
	s10 =	smul.u32 $0x4E200, s1  }
0x8: {  	s3 =	sadd.s32 $0xD600, s5;
	s4 =	sadd.s32 $0x35600, s5;
	s9 =	smul.u32 $0x2710, s6  }
0x9: {  	_ =	strace $0x80000047;
	s11 =	ssub.s32 $0x2, s6;
	s6 =	smul.u32 $0x27100, s6  }
0xa: {  	s29 =	sshrl.u32 s11, $0x1;
	s30 =	sadd.s32 s10, s5;
	s7 =	sadd.s32 s9, s7  }
0xb: {  	s10 =	simm.s32 $0x3;
	s9 =	ssub.s32 s11, s29;
	s12 =	sshrl.u32 s7, $0x3  }
0xc: {  	s11 =	simm.s32 $0x80;
	s7 =	sadd.s32 s6, s30;
	s31 =	sadd.s32 s12, s5  }
0xd: {  	s5 =	smax.u32 s9, $0x1;
	s6 =	sadd.s32 $0x85600, s7;
	s7 =	sadd.s32 $0x567600, s7  }
0xe: {  	s8 =	sadd.s32 s12, s8;
	s12 =	simm.s32 $0x50;
	s9 =	sadd.s32 $0x3800, s31  }
.LBB2_1:
0xf: {  	s18 =	sadd.s32 $0x0, s9  }
0x10: {  	[tilespmem:s2], [sflag:$0x3] =	stream.linear.gather [hbm4b:s18+s2], $0x50, $0x38;
	[tilespmem:$0x5100] =	vst v63  }
0x11: {  	_ =	swait.ge [sflag:s10], $0x50  }
0x12: {  	[sflag:s10] =	ssyncset.done $0x0  }
0x13: {  	s31 =	sadd.s32 $0x0, s8;
	[sflag:s10] =	ssyncadd.s32 $0xFFFFFFB0  }
0x14: {  	[tilespmem:s11], [sflag:$0x3] =	stream.linear.gather [hbm4b:s31+s2], $0x50, $0x38;
	[tilespmem:$0x5100] =	vst v63  }
0x15: {  	_ =	swait.ge [sflag:s10], $0x50  }
0x16: {  	[sflag:s10] =	ssyncset.done $0x0  }
0x17: {  	[sflag:s10] =	ssyncadd.s32 $0xFFFFFFB0  }
0x18: {  	[tilespmem:s13], [sflag:$0x1] =	stream.indirect.gather [hbm4b:s3+s12], $0x80, s2, s12, $0xb8;
	[tilespmem:$0x5100] =	vst v63  }
0x19: {  	_ = 	snop  }
0x1a: {  	[tilespmem:s14], [sflag:$0x2] =	stream.indirect.gather [hbm4b:s4+s12], $0x80, s11, s12, $0xb8;
	[tilespmem:$0x5100] =	vst v63  }
0x1b: {  	_ =	swait.ge [sflag:s15], $0x2800  }
0x1c: {  	[sflag:s15] =	ssyncset.done $0x0  }
0x1d: {  	[sflag:s15] =	ssyncadd.s32 $0xFFFFD800  }
0x1e: {  	_ =	swait.ge [sflag:s16], $0x2800  }
0x1f: {  	[sflag:s16] =	ssyncset.done $0x0  }
0x20: {  	[sflag:s16] =	ssyncadd.s32 $0xFFFFD800  }
0x21: {  	[hbm4b:s6+s2] =	stream.linear.scatter [tilespmem:s13], [sflag:$0x3], $0x2800, $0x38;
	[tilespmem:$0x5100] =	vst v63  }
0x22: {  	_ =	swait.ge [sflag:s10], $0x2800  }
0x23: {  	[sflag:s10] =	ssyncset.done $0x0  }
0x24: {  	[sflag:s10] =	ssyncadd.s32 $0xFFFFD800  }
0x25: {  	[hbm4b:s7+s2] =	stream.linear.scatter [tilespmem:s14], [sflag:$0x3], $0x2800, $0x38;
	[tilespmem:$0x5100] =	vst v63  }
0x26: {  	s20 =	simm.s32 $0xA;
	s21 =	simm.s32 $0x14;
	_ =	swait.ge [sflag:s10], $0x2800  }
0x27: {  	s19 =	sadd.s32 $0x500, s6;
	s18 =	sadd.s32 $0x500, s7;
	[sflag:s10] =	ssyncset.done $0x0  }
.LBB2_2:
0x28: {  	s22 =	sadd.s32 s20, s9  }
0x29: {  	[sflag:s10] =	ssyncadd.s32 $0xFFFFD800;
	s23 =	smov.u32 s21;
	s24 =	sadd.s32 $0xA, s21  }
0x2a: {  	[tilespmem:s2], [sflag:$0x3] =	stream.linear.gather [hbm4b:s22+s2], $0x50, $0x38;
	[tilespmem:$0x5100] =	vst v63  }
0x2b: {  	p0 =	sne.s32 s21, $0x4D8;
	_ =	swait.ge [sflag:s10], $0x50  }
0x2c: {  	[sflag:s10] =	ssyncset.done $0x0  }
0x2d: {  	s21 =	sadd.s32 s20, s8;
	s20 =	smov.u32 s23;
	[sflag:s10] =	ssyncadd.s32 $0xFFFFFFB0  }
0x2e: {  	[tilespmem:s11], [sflag:$0x3] =	stream.linear.gather [hbm4b:s21+s2], $0x50, $0x38;
	[tilespmem:$0x5100] =	vst v63  }
0x2f: {  	_ =	swait.ge [sflag:s10], $0x50  }
0x30: {  	[sflag:s10] =	ssyncset.done $0x0  }
0x31: {  	[sflag:s10] =	ssyncadd.s32 $0xFFFFFFB0  }
0x32: {  	[tilespmem:s13], [sflag:$0x1] =	stream.indirect.gather [hbm4b:s3+s12], $0x80, s2, s12, $0xb8;
	[tilespmem:$0x5100] =	vst v63  }
0x33: {  	_ = 	snop  }
0x34: {  	[tilespmem:s14], [sflag:$0x2] =	stream.indirect.gather [hbm4b:s4+s12], $0x80, s11, s12, $0xb8;
	[tilespmem:$0x5100] =	vst v63  }
0x35: {  	_ =	swait.ge [sflag:s15], $0x2800  }
0x36: {  	[sflag:s15] =	ssyncset.done $0x0  }
0x37: {  	[sflag:s15] =	ssyncadd.s32 $0xFFFFD800  }
0x38: {  	_ =	swait.ge [sflag:s16], $0x2800  }
0x39: {  	[sflag:s16] =	ssyncset.done $0x0  }
0x3a: {  	[sflag:s16] =	ssyncadd.s32 $0xFFFFD800  }
0x3b: {  	[hbm4b:s19+s2] =	stream.linear.scatter [tilespmem:s13], [sflag:$0x3], $0x2800, $0x38;
	[tilespmem:$0x5100] =	vst v63  }
0x3c: {  	_ =	swait.ge [sflag:s10], $0x2800  }
.Ltmp0:
0x3d: {  	[sflag:s10] =	ssyncset.done $0x0;
	(pc) =	sbr.rel @p0 .LBB2_2-.Ltmp0, $4  }
0x3e: {  	[sflag:s10] =	ssyncadd.s32 $0xFFFFD800  }
0x3f: {  	[hbm4b:s18+s2] =	stream.linear.scatter [tilespmem:s14], [sflag:$0x3], $0x2800, $0x38;
	[tilespmem:$0x5100] =	vst v63  }
0x40: {  	s21 =	smov.u32 s24;
	_ =	swait.ge [sflag:s10], $0x2800  }
0x41: {  	s19 =	sadd.s32 $0x500, s19;
	s18 =	sadd.s32 $0x500, s18;
	[sflag:s10] =	ssyncset.done $0x0  }
0x42: {  	s21 =	sadd.s32 s20, s9;
	[sflag:s10] =	ssyncadd.s32 $0xFFFFD800  }
0x43: {  	[tilespmem:s2], [sflag:$0x3] =	stream.linear.gather [hbm4b:s21+s2], $0x50, $0x38;
	[tilespmem:$0x5100] =	vst v63  }
0x44: {  	_ =	swait.ge [sflag:s10], $0x50  }
0x45: {  	[sflag:s10] =	ssyncset.done $0x0  }
0x46: {  	s31 =	sadd.s32 s20, s8;
	[sflag:s10] =	ssyncadd.s32 $0xFFFFFFB0  }
0x47: {  	[tilespmem:s11], [sflag:$0x3] =	stream.linear.gather [hbm4b:s31+s2], $0x50, $0x38;
	[tilespmem:$0x5100] =	vst v63  }
0x48: {  	_ =	swait.ge [sflag:s10], $0x50  }
0x49: {  	[sflag:s10] =	ssyncset.done $0x0  }
0x4a: {  	[sflag:s10] =	ssyncadd.s32 $0xFFFFFFB0  }
0x4b: {  	[tilespmem:s13], [sflag:$0x1] =	stream.indirect.gather [hbm4b:s3+s12], $0x80, s2, s12, $0xb8;
	[tilespmem:$0x5100] =	vst v63  }
0x4c: {  	_ = 	snop  }
0x4d: {  	[tilespmem:s14], [sflag:$0x2] =	stream.indirect.gather [hbm4b:s4+s12], $0x80, s11, s12, $0xb8;
	[tilespmem:$0x5100] =	vst v63  }
0x4e: {  	_ =	swait.ge [sflag:s15], $0x2800  }
0x4f: {  	[sflag:s15] =	ssyncset.done $0x0  }
0x50: {  	[sflag:s15] =	ssyncadd.s32 $0xFFFFD800  }
0x51: {  	_ =	swait.ge [sflag:s16], $0x2800  }
0x52: {  	[sflag:s16] =	ssyncset.done $0x0  }
0x53: {  	[sflag:s16] =	ssyncadd.s32 $0xFFFFD800  }
0x54: {  	[hbm4b:s19+s2] =	stream.linear.scatter [tilespmem:s13], [sflag:$0x3], $0x2800, $0x38;
	[tilespmem:$0x5100] =	vst v63  }
0x55: {  	s17 =	sadd.s32 $0x1, s17;
	_ =	swait.ge [sflag:s10], $0x2800  }
0x56: {  	p0 =	sne.s32 s17, s5;
	[sflag:s10] =	ssyncset.done $0x0  }
.Ltmp1:
0x57: {  	[sflag:s10] =	ssyncadd.s32 $0xFFFFD800;
	(pc) =	sbr.rel @p0 .LBB2_1-.Ltmp1, $4  }
0x58: {  	[hbm4b:s18+s2] =	stream.linear.scatter [tilespmem:s14], [sflag:$0x3], $0x2800, $0x38;
	[tilespmem:$0x5100] =	vst v63  }
0x59: {  	_ =	swait.ge [sflag:s10], $0x2800  }
0x5a: {  	[sflag:s10] =	ssyncset.done $0x0  }
0x5b: {  	[sflag:s10] =	ssyncadd.s32 $0xFFFFD800  }
0x5c: {  	_ =	sfence.sel $0x180000  }
0x5d: {  	[bflag:$0x0] =	sbarrier.arrive $0xFFFF  }
0x5e: {  	p0 =	sne.s32 s1, $0x0;
	_ =	strace $0x90000047  }
0x5f: {  	s0 =	sadd.s32 @!p0 $0x100000, s0;
	[bflag:$0x2] =	sbarrier.arrive $0xFFFF  }
0x60: {  	[sflag:s0] =	ssyncadd.tile.s32 @!p0 $0x1;
	_ =	shalt  }
.Lfunc_end2:
_tile_overlayer_lowered:
.L_overlay_start_2:
0x61: {  	(tag) =	ssettag $0x2  }
0x62: {  	s0 =	rddreg [dreg:$0x0];
	s2 =	stileid.u32  }
0x63: {  	s1 =	rddreg [dreg:$0x1];
	p0 =	sne.s32 s2, $0x0  }
0x64: {  	s3 =	rddreg [dreg:$0x2];
	[bflag:$0x3] =	sbarrier.arrive $0xFFFF;
	s2 =	simm.s32 @!p0 $0x1C03  }
0x65: {  	[timem:s3], [sflag:s2] =	dma.local @!p0 [hbm:s0], s1  }
0x66: {  	s0 =	simm.s32 @!p0 $0x3  }
0x67: {  	_ =	swait.ge @!p0 [sflag:s0], s1  }
0x68: {  	s1 =	ssub.s32 @!p0 $0x0, s1;
	[sflag:s0] =	ssyncset.done @!p0 $0x0  }
0x69: {  	[sflag:s0] =	ssyncadd.s32 @!p0 s1  }
0x6a: {  	[bflag:$0x3] =	sbarrier.arrive $0xFFFF  }
0x6b: {  	_ =	shalt  }

</sc_bundles>
